<compile_context>
chip_gen: v7x
topology: tpu7x:2x2x1
jax: 0.10.2.dev20260603
libtpu: 0.0.44.dev20260713+nightly
codegen_flags: <defaults>
</compile_context>

<pallas_src>
import functools

import jax
import jax.numpy as jnp
from jax import lax
from jax.experimental import pallas as pl
from jax.experimental.pallas import tpu as pltpu
from jax.experimental.pallas import tpu_sc as plsc

_NUM_NODES = 100000
_EMBED_DIM = 32
_NUM_WORKERS = 32
_CHUNK = 784
_CHUNKS_PER_WORKER = 4
_STRIDE = _CHUNK * _CHUNKS_PER_WORKER
_LAST_BASE = _NUM_NODES - _CHUNK


def _broadcast_copy(batch):
    mesh = plsc.VectorSubcoreMesh(core_axis_name="c", subcore_axis_name="s")

    @functools.partial(
        pl.kernel,
        mesh=mesh,
        out_type=jax.ShapeDtypeStruct((batch, _NUM_NODES, _EMBED_DIM),
                                      jnp.float32),
        scratch_types=[
            pltpu.VMEM((_CHUNK, _EMBED_DIM), jnp.float32),
            pltpu.SemaphoreType.DMA,
            pltpu.SemaphoreType.DMA,
        ],
    )
    def k(table_hbm, out_hbm, buf, sem_in, sem_out):
        wid = lax.axis_index("s") * 2 + lax.axis_index("c")
        for j in range(_CHUNKS_PER_WORKER):
            base = jnp.minimum(wid * _STRIDE + j * _CHUNK, _LAST_BASE)
            pltpu.async_copy(
                table_hbm.at[pl.ds(base, _CHUNK), :], buf, sem_in
            ).wait()
            copies = [
                pltpu.async_copy(
                    buf, out_hbm.at[b, pl.ds(base, _CHUNK), :], sem_out
                )
                for b in range(batch)
            ]
            for c in copies:
                c.wait()

    return k


def kernel(node_values, embeddings):
    batch = node_values.shape[0]
    return _broadcast_copy(batch)(embeddings)

# --- scband reference (transcript-rebuilt; emitter-appended) ---
"""Pipeline reference for scband-learnable-per-node-embedding-5540507812484 (READ-ONLY COPY).

The authoritative reference and input builder live on the scoring server;
editing this copy changes nothing except your own understanding.
"""

import jax, jax.numpy as jnp
import numpy as np

NUM_NODES = 100000
EMBED_DIM = 32
BATCH = 8

def setup_inputs(seed: int = 0) -> dict:
    key = jax.random.key(seed)
    k1, k2 = jax.random.split(key)
    node_values = jax.random.randint(k1, (BATCH,), 0, NUM_NODES, dtype=jnp.int64 if jax.config.jax_enable_x64 else jnp.int32)
    # Xavier uniform init for embedding table [num_nodes, embedding_dim]
    fan_in, fan_out = NUM_NODES, EMBED_DIM
    limit = float(np.sqrt(6.0 / (fan_in + fan_out)))
    embeddings = jax.random.uniform(k2, (NUM_NODES, EMBED_DIM), dtype=jnp.float32, minval=-limit, maxval=limit)
    return {"node_values": node_values, "embeddings": embeddings}

def reference(node_values, embeddings):
    # Faithful translation of LearnablePerNodeEmbedding.forward:
    #   node_indices = arange(num_nodes); emb = table[node_indices];
    #   return emb.unsqueeze(0).expand(batch_size, -1, -1)
    batch_size = node_values.shape[0]
    node_indices = jnp.arange(NUM_NODES)
    emb = jnp.take(embeddings, node_indices, axis=0)  # gather of full table
    batch_embeddings = jnp.broadcast_to(emb[None, :, :], (batch_size, NUM_NODES, EMBED_DIM))
    return batch_embeddings

if __name__ == "__main__":
    import jax
    _d = setup_inputs()
    print(jax.jit(kernel)(*tuple(_d.values())))

</pallas_src>

<mosaic_0001>
#map = affine_map<(d0, d1) -> (0, 0)>
#map1 = affine_map<(d0, d1) -> (0, 0, 0)>
module attributes {stable_mosaic.version = 14 : i64} {
  func.func @k(%arg0: i32, %arg1: i32, %arg2: memref<100000x32xf32, #tpu.memory_space<hbm>>, %arg3: memref<8x100000x32xf32, #tpu.memory_space<hbm>>, %arg4: memref<784x32xf32, #tpu.memory_space<vmem>>, %arg5: memref<!tpu.dma_semaphore, #tpu.memory_space<semaphore_mem>>, %arg6: memref<!tpu.dma_semaphore, #tpu.memory_space<semaphore_mem>>) attributes {dimension_semantics = [#tpu.dimension_semantics<core_parallel>, #tpu.dimension_semantics<subcore_parallel>], iteration_bounds = array<i64: 2, 16>, scalar_prefetch = 0 : i64, scratch_operands = 3 : i64, tpu.core_type = #tpu.core_type<sc_vector_subcore>, window_params = [{transform_indices = #map}, {transform_indices = #map1}]} {
    %mul3A = arith.constant 2 : i32
    %mul3A_0 = arith.muli %arg1, %mul3A : i32
    %add3A = arith.addi %mul3A_0, %arg0 : i32
    %mul3A_1 = arith.constant 3136 : i32
    %mul3A_2 = arith.muli %add3A, %mul3A_1 : i32
    %add3A_3 = arith.constant 0 : i32
    %add3A_4 = arith.addi %mul3A_2, %add3A_3 : i32
    %min3A = arith.constant 99216 : i32
    %min3A_5 = arith.minsi %add3A_4, %min3A : i32
    %dma_start3A = arith.constant 0 : i32
    %dma_start3A_6 = tpu.memref_slice %arg2[%min3A_5, %dma_start3A] : memref<100000x32xf32, #tpu.memory_space<hbm>> -> memref<784x32xf32, #tpu.memory_space<hbm>>
    %dma_start3A_7 = arith.constant 0 : i32
    %dma_start3A_8 = tpu.memref_slice %arg2[%min3A_5, %dma_start3A_7] : memref<100000x32xf32, #tpu.memory_space<hbm>> -> memref<784x32xf32, #tpu.memory_space<hbm>>
    tpu.enqueue_dma source(%dma_start3A_8 : memref<784x32xf32, #tpu.memory_space<hbm>>) target(%arg4 : memref<784x32xf32, #tpu.memory_space<vmem>>) target_semaphore(%arg5 : memref<!tpu.dma_semaphore, #tpu.memory_space<semaphore_mem>>)
    %dma_wait3A = arith.constant 0 : i32
    %dma_wait3A_9 = tpu.memref_slice %arg2[%min3A_5, %dma_wait3A] : memref<100000x32xf32, #tpu.memory_space<hbm>> -> memref<784x32xf32, #tpu.memory_space<hbm>>
    %dma_wait3A_10 = arith.constant 0 : i32
    %dma_wait3A_11 = tpu.memref_slice %arg2[%min3A_5, %dma_wait3A_10] : memref<100000x32xf32, #tpu.memory_space<hbm>> -> memref<784x32xf32, #tpu.memory_space<hbm>>
    tpu.wait_dma2 semaphore(%arg5 : memref<!tpu.dma_semaphore, #tpu.memory_space<semaphore_mem>>) src(%dma_wait3A_11 : memref<784x32xf32, #tpu.memory_space<hbm>>) dst(%arg4 : memref<784x32xf32, #tpu.memory_space<vmem>>)
    %dma_start3A_12 = arith.constant 0 : i32
    %dma_start3A_13 = arith.constant 0 : i32
    %dma_start3A_14 = tpu.memref_slice %arg3[%dma_start3A_12, %min3A_5, %dma_start3A_13] : memref<8x100000x32xf32, #tpu.memory_space<hbm>> -> memref<1x784x32xf32, #tpu.memory_space<hbm>>
    %dma_start3A_15 = tpu.memref_squeeze %dma_start3A_14 : memref<1x784x32xf32, #tpu.memory_space<hbm>> -> memref<784x32xf32, #tpu.memory_space<hbm>>
    %dma_start3A_16 = arith.constant 0 : i32
    %dma_start3A_17 = tpu.memref_slice %arg3[%dma_start3A_12, %min3A_5, %dma_start3A_16] : memref<8x100000x32xf32, #tpu.memory_space<hbm>> -> memref<1x784x32xf32, #tpu.memory_space<hbm>>
    %dma_start3A_18 = tpu.memref_squeeze %dma_start3A_17 : memref<1x784x32xf32, #tpu.memory_space<hbm>> -> memref<784x32xf32, #tpu.memory_space<hbm>>
    tpu.enqueue_dma source(%arg4 : memref<784x32xf32, #tpu.memory_space<vmem>>) target(%dma_start3A_18 : memref<784x32xf32, #tpu.memory_space<hbm>>) target_semaphore(%arg6 : memref<!tpu.dma_semaphore, #tpu.memory_space<semaphore_mem>>)
    %dma_start3A_19 = arith.constant 1 : i32
    %dma_start3A_20 = arith.constant 0 : i32
    %dma_start3A_21 = tpu.memref_slice %arg3[%dma_start3A_19, %min3A_5, %dma_start3A_20] : memref<8x100000x32xf32, #tpu.memory_space<hbm>> -> memref<1x784x32xf32, #tpu.memory_space<hbm>>
    %dma_start3A_22 = tpu.memref_squeeze %dma_start3A_21 : memref<1x784x32xf32, #tpu.memory_space<hbm>> -> memref<784x32xf32, #tpu.memory_space<hbm>>
    %dma_start3A_23 = arith.constant 0 : i32
    %dma_start3A_24 = tpu.memref_slice %arg3[%dma_start3A_19, %min3A_5, %dma_start3A_23] : memref<8x100000x32xf32, #tpu.memory_space<hbm>> -> memref<1x784x32xf32, #tpu.memory_space<hbm>>
    %dma_start3A_25 = tpu.memref_squeeze %dma_start3A_24 : memref<1x784x32xf32, #tpu.memory_space<hbm>> -> memref<784x32xf32, #tpu.memory_space<hbm>>
    tpu.enqueue_dma source(%arg4 : memref<784x32xf32, #tpu.memory_space<vmem>>) target(%dma_start3A_25 : memref<784x32xf32, #tpu.memory_space<hbm>>) target_semaphore(%arg6 : memref<!tpu.dma_semaphore, #tpu.memory_space<semaphore_mem>>)
    %dma_start3A_26 = arith.constant 2 : i32
    %dma_start3A_27 = arith.constant 0 : i32
    %dma_start3A_28 = tpu.memref_slice %arg3[%dma_start3A_26, %min3A_5, %dma_start3A_27] : memref<8x100000x32xf32, #tpu.memory_space<hbm>> -> memref<1x784x32xf32, #tpu.memory_space<hbm>>
    %dma_start3A_29 = tpu.memref_squeeze %dma_start3A_28 : memref<1x784x32xf32, #tpu.memory_space<hbm>> -> memref<784x32xf32, #tpu.memory_space<hbm>>
    %dma_start3A_30 = arith.constant 0 : i32
    %dma_start3A_31 = tpu.memref_slice %arg3[%dma_start3A_26, %min3A_5, %dma_start3A_30] : memref<8x100000x32xf32, #tpu.memory_space<hbm>> -> memref<1x784x32xf32, #tpu.memory_space<hbm>>
    %dma_start3A_32 = tpu.memref_squeeze %dma_start3A_31 : memref<1x784x32xf32, #tpu.memory_space<hbm>> -> memref<784x32xf32, #tpu.memory_space<hbm>>
    tpu.enqueue_dma source(%arg4 : memref<784x32xf32, #tpu.memory_space<vmem>>) target(%dma_start3A_32 : memref<784x32xf32, #tpu.memory_space<hbm>>) target_semaphore(%arg6 : memref<!tpu.dma_semaphore, #tpu.memory_space<semaphore_mem>>)
    %dma_start3A_33 = arith.constant 3 : i32
    %dma_start3A_34 = arith.constant 0 : i32
    %dma_start3A_35 = tpu.memref_slice %arg3[%dma_start3A_33, %min3A_5, %dma_start3A_34] : memref<8x100000x32xf32, #tpu.memory_space<hbm>> -> memref<1x784x32xf32, #tpu.memory_space<hbm>>
    %dma_start3A_36 = tpu.memref_squeeze %dma_start3A_35 : memref<1x784x32xf32, #tpu.memory_space<hbm>> -> memref<784x32xf32, #tpu.memory_space<hbm>>
    %dma_start3A_37 = arith.constant 0 : i32
    %dma_start3A_38 = tpu.memref_slice %arg3[%dma_start3A_33, %min3A_5, %dma_start3A_37] : memref<8x100000x32xf32, #tpu.memory_space<hbm>> -> memref<1x784x32xf32, #tpu.memory_space<hbm>>
    %dma_start3A_39 = tpu.memref_squeeze %dma_start3A_38 : memref<1x784x32xf32, #tpu.memory_space<hbm>> -> memref<784x32xf32, #tpu.memory_space<hbm>>
    tpu.enqueue_dma source(%arg4 : memref<784x32xf32, #tpu.memory_space<vmem>>) target(%dma_start3A_39 : memref<784x32xf32, #tpu.memory_space<hbm>>) target_semaphore(%arg6 : memref<!tpu.dma_semaphore, #tpu.memory_space<semaphore_mem>>)
    %dma_start3A_40 = arith.constant 4 : i32
    %dma_start3A_41 = arith.constant 0 : i32
    %dma_start3A_42 = tpu.memref_slice %arg3[%dma_start3A_40, %min3A_5, %dma_start3A_41] : memref<8x100000x32xf32, #tpu.memory_space<hbm>> -> memref<1x784x32xf32, #tpu.memory_space<hbm>>
    %dma_start3A_43 = tpu.memref_squeeze %dma_start3A_42 : memref<1x784x32xf32, #tpu.memory_space<hbm>> -> memref<784x32xf32, #tpu.memory_space<hbm>>
    %dma_start3A_44 = arith.constant 0 : i32
    %dma_start3A_45 = tpu.memref_slice %arg3[%dma_start3A_40, %min3A_5, %dma_start3A_44] : memref<8x100000x32xf32, #tpu.memory_space<hbm>> -> memref<1x784x32xf32, #tpu.memory_space<hbm>>
    %dma_start3A_46 = tpu.memref_squeeze %dma_start3A_45 : memref<1x784x32xf32, #tpu.memory_space<hbm>> -> memref<784x32xf32, #tpu.memory_space<hbm>>
    tpu.enqueue_dma source(%arg4 : memref<784x32xf32, #tpu.memory_space<vmem>>) target(%dma_start3A_46 : memref<784x32xf32, #tpu.memory_space<hbm>>) target_semaphore(%arg6 : memref<!tpu.dma_semaphore, #tpu.memory_space<semaphore_mem>>)
    %dma_start3A_47 = arith.constant 5 : i32
    %dma_start3A_48 = arith.constant 0 : i32
    %dma_start3A_49 = tpu.memref_slice %arg3[%dma_start3A_47, %min3A_5, %dma_start3A_48] : memref<8x100000x32xf32, #tpu.memory_space<hbm>> -> memref<1x784x32xf32, #tpu.memory_space<hbm>>
    %dma_start3A_50 = tpu.memref_squeeze %dma_start3A_49 : memref<1x784x32xf32, #tpu.memory_space<hbm>> -> memref<784x32xf32, #tpu.memory_space<hbm>>
    %dma_start3A_51 = arith.constant 0 : i32
    %dma_start3A_52 = tpu.memref_slice %arg3[%dma_start3A_47, %min3A_5, %dma_start3A_51] : memref<8x100000x32xf32, #tpu.memory_space<hbm>> -> memref<1x784x32xf32, #tpu.memory_space<hbm>>
    %dma_start3A_53 = tpu.memref_squeeze %dma_start3A_52 : memref<1x784x32xf32, #tpu.memory_space<hbm>> -> memref<784x32xf32, #tpu.memory_space<hbm>>
    tpu.enqueue_dma source(%arg4 : memref<784x32xf32, #tpu.memory_space<vmem>>) target(%dma_start3A_53 : memref<784x32xf32, #tpu.memory_space<hbm>>) target_semaphore(%arg6 : memref<!tpu.dma_semaphore, #tpu.memory_space<semaphore_mem>>)
    %dma_start3A_54 = arith.constant 6 : i32
    %dma_start3A_55 = arith.constant 0 : i32
    %dma_start3A_56 = tpu.memref_slice %arg3[%dma_start3A_54, %min3A_5, %dma_start3A_55] : memref<8x100000x32xf32, #tpu.memory_space<hbm>> -> memref<1x784x32xf32, #tpu.memory_space<hbm>>
    %dma_start3A_57 = tpu.memref_squeeze %dma_start3A_56 : memref<1x784x32xf32, #tpu.memory_space<hbm>> -> memref<784x32xf32, #tpu.memory_space<hbm>>
    %dma_start3A_58 = arith.constant 0 : i32
    %dma_start3A_59 = tpu.memref_slice %arg3[%dma_start3A_54, %min3A_5, %dma_start3A_58] : memref<8x100000x32xf32, #tpu.memory_space<hbm>> -> memref<1x784x32xf32, #tpu.memory_space<hbm>>
    %dma_start3A_60 = tpu.memref_squeeze %dma_start3A_59 : memref<1x784x32xf32, #tpu.memory_space<hbm>> -> memref<784x32xf32, #tpu.memory_space<hbm>>
    tpu.enqueue_dma source(%arg4 : memref<784x32xf32, #tpu.memory_space<vmem>>) target(%dma_start3A_60 : memref<784x32xf32, #tpu.memory_space<hbm>>) target_semaphore(%arg6 : memref<!tpu.dma_semaphore, #tpu.memory_space<semaphore_mem>>)
    %dma_start3A_61 = arith.constant 7 : i32
    %dma_start3A_62 = arith.constant 0 : i32
    %dma_start3A_63 = tpu.memref_slice %arg3[%dma_start3A_61, %min3A_5, %dma_start3A_62] : memref<8x100000x32xf32, #tpu.memory_space<hbm>> -> memref<1x784x32xf32, #tpu.memory_space<hbm>>
    %dma_start3A_64 = tpu.memref_squeeze %dma_start3A_63 : memref<1x784x32xf32, #tpu.memory_space<hbm>> -> memref<784x32xf32, #tpu.memory_space<hbm>>
    %dma_start3A_65 = arith.constant 0 : i32
    %dma_start3A_66 = tpu.memref_slice %arg3[%dma_start3A_61, %min3A_5, %dma_start3A_65] : memref<8x100000x32xf32, #tpu.memory_space<hbm>> -> memref<1x784x32xf32, #tpu.memory_space<hbm>>
    %dma_start3A_67 = tpu.memref_squeeze %dma_start3A_66 : memref<1x784x32xf32, #tpu.memory_space<hbm>> -> memref<784x32xf32, #tpu.memory_space<hbm>>
    tpu.enqueue_dma source(%arg4 : memref<784x32xf32, #tpu.memory_space<vmem>>) target(%dma_start3A_67 : memref<784x32xf32, #tpu.memory_space<hbm>>) target_semaphore(%arg6 : memref<!tpu.dma_semaphore, #tpu.memory_space<semaphore_mem>>)
    %dma_wait3A_68 = arith.constant 0 : i32
    %dma_wait3A_69 = arith.constant 0 : i32
    %dma_wait3A_70 = tpu.memref_slice %arg3[%dma_wait3A_68, %min3A_5, %dma_wait3A_69] : memref<8x100000x32xf32, #tpu.memory_space<hbm>> -> memref<1x784x32xf32, #tpu.memory_space<hbm>>
    %dma_wait3A_71 = tpu.memref_squeeze %dma_wait3A_70 : memref<1x784x32xf32, #tpu.memory_space<hbm>> -> memref<784x32xf32, #tpu.memory_space<hbm>>
    %dma_wait3A_72 = arith.constant 0 : i32
    %dma_wait3A_73 = tpu.memref_slice %arg3[%dma_wait3A_68, %min3A_5, %dma_wait3A_72] : memref<8x100000x32xf32, #tpu.memory_space<hbm>> -> memref<1x784x32xf32, #tpu.memory_space<hbm>>
    %dma_wait3A_74 = tpu.memref_squeeze %dma_wait3A_73 : memref<1x784x32xf32, #tpu.memory_space<hbm>> -> memref<784x32xf32, #tpu.memory_space<hbm>>
    tpu.wait_dma2 semaphore(%arg6 : memref<!tpu.dma_semaphore, #tpu.memory_space<semaphore_mem>>) src(%arg4 : memref<784x32xf32, #tpu.memory_space<vmem>>) dst(%dma_wait3A_74 : memref<784x32xf32, #tpu.memory_space<hbm>>)
    %dma_wait3A_75 = arith.constant 1 : i32
    %dma_wait3A_76 = arith.constant 0 : i32
    %dma_wait3A_77 = tpu.memref_slice %arg3[%dma_wait3A_75, %min3A_5, %dma_wait3A_76] : memref<8x100000x32xf32, #tpu.memory_space<hbm>> -> memref<1x784x32xf32, #tpu.memory_space<hbm>>
    %dma_wait3A_78 = tpu.memref_squeeze %dma_wait3A_77 : memref<1x784x32xf32, #tpu.memory_space<hbm>> -> memref<784x32xf32, #tpu.memory_space<hbm>>
    %dma_wait3A_79 = arith.constant 0 : i32
    %dma_wait3A_80 = tpu.memref_slice %arg3[%dma_wait3A_75, %min3A_5, %dma_wait3A_79] : memref<8x100000x32xf32, #tpu.memory_space<hbm>> -> memref<1x784x32xf32, #tpu.memory_space<hbm>>
    %dma_wait3A_81 = tpu.memref_squeeze %dma_wait3A_80 : memref<1x784x32xf32, #tpu.memory_space<hbm>> -> memref<784x32xf32, #tpu.memory_space<hbm>>
    tpu.wait_dma2 semaphore(%arg6 : memref<!tpu.dma_semaphore, #tpu.memory_space<semaphore_mem>>) src(%arg4 : memref<784x32xf32, #tpu.memory_space<vmem>>) dst(%dma_wait3A_81 : memref<784x32xf32, #tpu.memory_space<hbm>>)
    %dma_wait3A_82 = arith.constant 2 : i32
    %dma_wait3A_83 = arith.constant 0 : i32
    %dma_wait3A_84 = tpu.memref_slice %arg3[%dma_wait3A_82, %min3A_5, %dma_wait3A_83] : memref<8x100000x32xf32, #tpu.memory_space<hbm>> -> memref<1x784x32xf32, #tpu.memory_space<hbm>>
    %dma_wait3A_85 = tpu.memref_squeeze %dma_wait3A_84 : memref<1x784x32xf32, #tpu.memory_space<hbm>> -> memref<784x32xf32, #tpu.memory_space<hbm>>
    %dma_wait3A_86 = arith.constant 0 : i32
    %dma_wait3A_87 = tpu.memref_slice %arg3[%dma_wait3A_82, %min3A_5, %dma_wait3A_86] : memref<8x100000x32xf32, #tpu.memory_space<hbm>> -> memref<1x784x32xf32, #tpu.memory_space<hbm>>
    %dma_wait3A_88 = tpu.memref_squeeze %dma_wait3A_87 : memref<1x784x32xf32, #tpu.memory_space<hbm>> -> memref<784x32xf32, #tpu.memory_space<hbm>>
    tpu.wait_dma2 semaphore(%arg6 : memref<!tpu.dma_semaphore, #tpu.memory_space<semaphore_mem>>) src(%arg4 : memref<784x32xf32, #tpu.memory_space<vmem>>) dst(%dma_wait3A_88 : memref<784x32xf32, #tpu.memory_space<hbm>>)
    %dma_wait3A_89 = arith.constant 3 : i32
    %dma_wait3A_90 = arith.constant 0 : i32
    %dma_wait3A_91 = tpu.memref_slice %arg3[%dma_wait3A_89, %min3A_5, %dma_wait3A_90] : memref<8x100000x32xf32, #tpu.memory_space<hbm>> -> memref<1x784x32xf32, #tpu.memory_space<hbm>>
    %dma_wait3A_92 = tpu.memref_squeeze %dma_wait3A_91 : memref<1x784x32xf32, #tpu.memory_space<hbm>> -> memref<784x32xf32, #tpu.memory_space<hbm>>
    %dma_wait3A_93 = arith.constant 0 : i32
    %dma_wait3A_94 = tpu.memref_slice %arg3[%dma_wait3A_89, %min3A_5, %dma_wait3A_93] : memref<8x100000x32xf32, #tpu.memory_space<hbm>> -> memref<1x784x32xf32, #tpu.memory_space<hbm>>
    %dma_wait3A_95 = tpu.memref_squeeze %dma_wait3A_94 : memref<1x784x32xf32, #tpu.memory_space<hbm>> -> memref<784x32xf32, #tpu.memory_space<hbm>>
    tpu.wait_dma2 semaphore(%arg6 : memref<!tpu.dma_semaphore, #tpu.memory_space<semaphore_mem>>) src(%arg4 : memref<784x32xf32, #tpu.memory_space<vmem>>) dst(%dma_wait3A_95 : memref<784x32xf32, #tpu.memory_space<hbm>>)
    %dma_wait3A_96 = arith.constant 4 : i32
    %dma_wait3A_97 = arith.constant 0 : i32
    %dma_wait3A_98 = tpu.memref_slice %arg3[%dma_wait3A_96, %min3A_5, %dma_wait3A_97] : memref<8x100000x32xf32, #tpu.memory_space<hbm>> -> memref<1x784x32xf32, #tpu.memory_space<hbm>>
    %dma_wait3A_99 = tpu.memref_squeeze %dma_wait3A_98 : memref<1x784x32xf32, #tpu.memory_space<hbm>> -> memref<784x32xf32, #tpu.memory_space<hbm>>
    %dma_wait3A_100 = arith.constant 0 : i32
    %dma_wait3A_101 = tpu.memref_slice %arg3[%dma_wait3A_96, %min3A_5, %dma_wait3A_100] : memref<8x100000x32xf32, #tpu.memory_space<hbm>> -> memref<1x784x32xf32, #tpu.memory_space<hbm>>
    %dma_wait3A_102 = tpu.memref_squeeze %dma_wait3A_101 : memref<1x784x32xf32, #tpu.memory_space<hbm>> -> memref<784x32xf32, #tpu.memory_space<hbm>>
    tpu.wait_dma2 semaphore(%arg6 : memref<!tpu.dma_semaphore, #tpu.memory_space<semaphore_mem>>) src(%arg4 : memref<784x32xf32, #tpu.memory_space<vmem>>) dst(%dma_wait3A_102 : memref<784x32xf32, #tpu.memory_space<hbm>>)
    %dma_wait3A_103 = arith.constant 5 : i32
    %dma_wait3A_104 = arith.constant 0 : i32
    %dma_wait3A_105 = tpu.memref_slice %arg3[%dma_wait3A_103, %min3A_5, %dma_wait3A_104] : memref<8x100000x32xf32, #tpu.memory_space<hbm>> -> memref<1x784x32xf32, #tpu.memory_space<hbm>>
    %dma_wait3A_106 = tpu.memref_squeeze %dma_wait3A_105 : memref<1x784x32xf32, #tpu.memory_space<hbm>> -> memref<784x32xf32, #tpu.memory_space<hbm>>
    %dma_wait3A_107 = arith.constant 0 : i32
    %dma_wait3A_108 = tpu.memref_slice %arg3[%dma_wait3A_103, %min3A_5, %dma_wait3A_107] : memref<8x100000x32xf32, #tpu.memory_space<hbm>> -> memref<1x784x32xf32, #tpu.memory_space<hbm>>
    %dma_wait3A_109 = tpu.memref_squeeze %dma_wait3A_108 : memref<1x784x32xf32, #tpu.memory_space<hbm>> -> memref<784x32xf32, #tpu.memory_space<hbm>>
    tpu.wait_dma2 semaphore(%arg6 : memref<!tpu.dma_semaphore, #tpu.memory_space<semaphore_mem>>) src(%arg4 : memref<784x32xf32, #tpu.memory_space<vmem>>) dst(%dma_wait3A_109 : memref<784x32xf32, #tpu.memory_space<hbm>>)
    %dma_wait3A_110 = arith.constant 6 : i32
    %dma_wait3A_111 = arith.constant 0 : i32
    %dma_wait3A_112 = tpu.memref_slice %arg3[%dma_wait3A_110, %min3A_5, %dma_wait3A_111] : memref<8x100000x32xf32, #tpu.memory_space<hbm>> -> memref<1x784x32xf32, #tpu.memory_space<hbm>>
    %dma_wait3A_113 = tpu.memref_squeeze %dma_wait3A_112 : memref<1x784x32xf32, #tpu.memory_space<hbm>> -> memref<784x32xf32, #tpu.memory_space<hbm>>
    %dma_wait3A_114 = arith.constant 0 : i32
    %dma_wait3A_115 = tpu.memref_slice %arg3[%dma_wait3A_110, %min3A_5, %dma_wait3A_114] : memref<8x100000x32xf32, #tpu.memory_space<hbm>> -> memref<1x784x32xf32, #tpu.memory_space<hbm>>
    %dma_wait3A_116 = tpu.memref_squeeze %dma_wait3A_115 : memref<1x784x32xf32, #tpu.memory_space<hbm>> -> memref<784x32xf32, #tpu.memory_space<hbm>>
    tpu.wait_dma2 semaphore(%arg6 : memref<!tpu.dma_semaphore, #tpu.memory_space<semaphore_mem>>) src(%arg4 : memref<784x32xf32, #tpu.memory_space<vmem>>) dst(%dma_wait3A_116 : memref<784x32xf32, #tpu.memory_space<hbm>>)
    %dma_wait3A_117 = arith.constant 7 : i32
    %dma_wait3A_118 = arith.constant 0 : i32
    %dma_wait3A_119 = tpu.memref_slice %arg3[%dma_wait3A_117, %min3A_5, %dma_wait3A_118] : memref<8x100000x32xf32, #tpu.memory_space<hbm>> -> memref<1x784x32xf32, #tpu.memory_space<hbm>>
    %dma_wait3A_120 = tpu.memref_squeeze %dma_wait3A_119 : memref<1x784x32xf32, #tpu.memory_space<hbm>> -> memref<784x32xf32, #tpu.memory_space<hbm>>
    %dma_wait3A_121 = arith.constant 0 : i32
    %dma_wait3A_122 = tpu.memref_slice %arg3[%dma_wait3A_117, %min3A_5, %dma_wait3A_121] : memref<8x100000x32xf32, #tpu.memory_space<hbm>> -> memref<1x784x32xf32, #tpu.memory_space<hbm>>
    %dma_wait3A_123 = tpu.memref_squeeze %dma_wait3A_122 : memref<1x784x32xf32, #tpu.memory_space<hbm>> -> memref<784x32xf32, #tpu.memory_space<hbm>>
    tpu.wait_dma2 semaphore(%arg6 : memref<!tpu.dma_semaphore, #tpu.memory_space<semaphore_mem>>) src(%arg4 : memref<784x32xf32, #tpu.memory_space<vmem>>) dst(%dma_wait3A_123 : memref<784x32xf32, #tpu.memory_space<hbm>>)
    %mul3A_124 = arith.constant 3136 : i32
    %mul3A_125 = arith.muli %add3A, %mul3A_124 : i32
    %add3A_126 = arith.constant 784 : i32
    %add3A_127 = arith.addi %mul3A_125, %add3A_126 : i32
    %min3A_128 = arith.constant 99216 : i32
    %min3A_129 = arith.minsi %add3A_127, %min3A_128 : i32
    %dma_start3A_130 = arith.constant 0 : i32
    %dma_start3A_131 = tpu.memref_slice %arg2[%min3A_129, %dma_start3A_130] : memref<100000x32xf32, #tpu.memory_space<hbm>> -> memref<784x32xf32, #tpu.memory_space<hbm>>
    %dma_start3A_132 = arith.constant 0 : i32
    %dma_start3A_133 = tpu.memref_slice %arg2[%min3A_129, %dma_start3A_132] : memref<100000x32xf32, #tpu.memory_space<hbm>> -> memref<784x32xf32, #tpu.memory_space<hbm>>
    tpu.enqueue_dma source(%dma_start3A_133 : memref<784x32xf32, #tpu.memory_space<hbm>>) target(%arg4 : memref<784x32xf32, #tpu.memory_space<vmem>>) target_semaphore(%arg5 : memref<!tpu.dma_semaphore, #tpu.memory_space<semaphore_mem>>)
    %dma_wait3A_134 = arith.constant 0 : i32
    %dma_wait3A_135 = tpu.memref_slice %arg2[%min3A_129, %dma_wait3A_134] : memref<100000x32xf32, #tpu.memory_space<hbm>> -> memref<784x32xf32, #tpu.memory_space<hbm>>
    %dma_wait3A_136 = arith.constant 0 : i32
    %dma_wait3A_137 = tpu.memref_slice %arg2[%min3A_129, %dma_wait3A_136] : memref<100000x32xf32, #tpu.memory_space<hbm>> -> memref<784x32xf32, #tpu.memory_space<hbm>>
    tpu.wait_dma2 semaphore(%arg5 : memref<!tpu.dma_semaphore, #tpu.memory_space<semaphore_mem>>) src(%dma_wait3A_137 : memref<784x32xf32, #tpu.memory_space<hbm>>) dst(%arg4 : memref<784x32xf32, #tpu.memory_space<vmem>>)
    %dma_start3A_138 = arith.constant 0 : i32
    %dma_start3A_139 = arith.constant 0 : i32
    %dma_start3A_140 = tpu.memref_slice %arg3[%dma_start3A_138, %min3A_129, %dma_start3A_139] : memref<8x100000x32xf32, #tpu.memory_space<hbm>> -> memref<1x784x32xf32, #tpu.memory_space<hbm>>
    %dma_start3A_141 = tpu.memref_squeeze %dma_start3A_140 : memref<1x784x32xf32, #tpu.memory_space<hbm>> -> memref<784x32xf32, #tpu.memory_space<hbm>>
    %dma_start3A_142 = arith.constant 0 : i32
    %dma_start3A_143 = tpu.memref_slice %arg3[%dma_start3A_138, %min3A_129, %dma_start3A_142] : memref<8x100000x32xf32, #tpu.memory_space<hbm>> -> memref<1x784x32xf32, #tpu.memory_space<hbm>>
    %dma_start3A_144 = tpu.memref_squeeze %dma_start3A_143 : memref<1x784x32xf32, #tpu.memory_space<hbm>> -> memref<784x32xf32, #tpu.memory_space<hbm>>
    tpu.enqueue_dma source(%arg4 : memref<784x32xf32, #tpu.memory_space<vmem>>) target(%dma_start3A_144 : memref<784x32xf32, #tpu.memory_space<hbm>>) target_semaphore(%arg6 : memref<!tpu.dma_semaphore, #tpu.memory_space<semaphore_mem>>)
    %dma_start3A_145 = arith.constant 1 : i32
    %dma_start3A_146 = arith.constant 0 : i32
    %dma_start3A_147 = tpu.memref_slice %arg3[%dma_start3A_145, %min3A_129, %dma_start3A_146] : memref<8x100000x32xf32, #tpu.memory_space<hbm>> -> memref<1x784x32xf32, #tpu.memory_space<hbm>>
    %dma_start3A_148 = tpu.memref_squeeze %dma_start3A_147 : memref<1x784x32xf32, #tpu.memory_space<hbm>> -> memref<784x32xf32, #tpu.memory_space<hbm>>
    %dma_start3A_149 = arith.constant 0 : i32
    %dma_start3A_150 = tpu.memref_slice %arg3[%dma_start3A_145, %min3A_129, %dma_start3A_149] : memref<8x100000x32xf32, #tpu.memory_space<hbm>> -> memref<1x784x32xf32, #tpu.memory_space<hbm>>
    %dma_start3A_151 = tpu.memref_squeeze %dma_start3A_150 : memref<1x784x32xf32, #tpu.memory_space<hbm>> -> memref<784x32xf32, #tpu.memory_space<hbm>>
    tpu.enqueue_dma source(%arg4 : memref<784x32xf32, #tpu.memory_space<vmem>>) target(%dma_start3A_151 : memref<784x32xf32, #tpu.memory_space<hbm>>) target_semaphore(%arg6 : memref<!tpu.dma_semaphore, #tpu.memory_space<semaphore_mem>>)
    %dma_start3A_152 = arith.constant 2 : i32
    %dma_start3A_153 = arith.constant 0 : i32
    %dma_start3A_154 = tpu.memref_slice %arg3[%dma_start3A_152, %min3A_129, %dma_start3A_153] : memref<8x100000x32xf32, #tpu.memory_space<hbm>> -> memref<1x784x32xf32, #tpu.memory_space<hbm>>
    %dma_start3A_155 = tpu.memref_squeeze %dma_start3A_154 : memref<1x784x32xf32, #tpu.memory_space<hbm>> -> memref<784x32xf32, #tpu.memory_space<hbm>>
    %dma_start3A_156 = arith.constant 0 : i32
    %dma_start3A_157 = tpu.memref_slice %arg3[%dma_start3A_152, %min3A_129, %dma_start3A_156] : memref<8x100000x32xf32, #tpu.memory_space<hbm>> -> memref<1x784x32xf32, #tpu.memory_space<hbm>>
    %dma_start3A_158 = tpu.memref_squeeze %dma_start3A_157 : memref<1x784x32xf32, #tpu.memory_space<hbm>> -> memref<784x32xf32, #tpu.memory_space<hbm>>
    tpu.enqueue_dma source(%arg4 : memref<784x32xf32, #tpu.memory_space<vmem>>) target(%dma_start3A_158 : memref<784x32xf32, #tpu.memory_space<hbm>>) target_semaphore(%arg6 : memref<!tpu.dma_semaphore, #tpu.memory_space<semaphore_mem>>)
    %dma_start3A_159 = arith.constant 3 : i32
    %dma_start3A_160 = arith.constant 0 : i32
    %dma_start3A_161 = tpu.memref_slice %arg3[%dma_start3A_159, %min3A_129, %dma_start3A_160] : memref<8x100000x32xf32, #tpu.memory_space<hbm>> -> memref<1x784x32xf32, #tpu.memory_space<hbm>>
    %dma_start3A_162 = tpu.memref_squeeze %dma_start3A_161 : memref<1x784x32xf32, #tpu.memory_space<hbm>> -> memref<784x32xf32, #tpu.memory_space<hbm>>
    %dma_start3A_163 = arith.constant 0 : i32
    %dma_start3A_164 = tpu.memref_slice %arg3[%dma_start3A_159, %min3A_129, %dma_start3A_163] : memref<8x100000x32xf32, #tpu.memory_space<hbm>> -> memref<1x784x32xf32, #tpu.memory_space<hbm>>
    %dma_start3A_165 = tpu.memref_squeeze %dma_start3A_164 : memref<1x784x32xf32, #tpu.memory_space<hbm>> -> memref<784x32xf32, #tpu.memory_space<hbm>>
    tpu.enqueue_dma source(%arg4 : memref<784x32xf32, #tpu.memory_space<vmem>>) target(%dma_start3A_165 : memref<784x32xf32, #tpu.memory_space<hbm>>) target_semaphore(%arg6 : memref<!tpu.dma_semaphore, #tpu.memory_space<semaphore_mem>>)
    %dma_start3A_166 = arith.constant 4 : i32
    %dma_start3A_167 = arith.constant 0 : i32
    %dma_start3A_168 = tpu.memref_slice %arg3[%dma_start3A_166, %min3A_129, %dma_start3A_167] : memref<8x100000x32xf32, #tpu.memory_space<hbm>> -> memref<1x784x32xf32, #tpu.memory_space<hbm>>
    %dma_start3A_169 = tpu.memref_squeeze %dma_start3A_168 : memref<1x784x32xf32, #tpu.memory_space<hbm>> -> memref<784x32xf32, #tpu.memory_space<hbm>>
    %dma_start3A_170 = arith.constant 0 : i32
    %dma_start3A_171 = tpu.memref_slice %arg3[%dma_start3A_166, %min3A_129, %dma_start3A_170] : memref<8x100000x32xf32, #tpu.memory_space<hbm>> -> memref<1x784x32xf32, #tpu.memory_space<hbm>>
    %dma_start3A_172 = tpu.memref_squeeze %dma_start3A_171 : memref<1x784x32xf32, #tpu.memory_space<hbm>> -> memref<784x32xf32, #tpu.memory_space<hbm>>
    tpu.enqueue_dma source(%arg4 : memref<784x32xf32, #tpu.memory_space<vmem>>) target(%dma_start3A_172 : memref<784x32xf32, #tpu.memory_space<hbm>>) target_semaphore(%arg6 : memref<!tpu.dma_semaphore, #tpu.memory_space<semaphore_mem>>)
    %dma_start3A_173 = arith.constant 5 : i32
    %dma_start3A_174 = arith.constant 0 : i32
    %dma_start3A_175 = tpu.memref_slice %arg3[%dma_start3A_173, %min3A_129, %dma_start3A_174] : memref<8x100000x32xf32, #tpu.memory_space<hbm>> -> memref<1x784x32xf32, #tpu.memory_space<hbm>>
    %dma_start3A_176 = tpu.memref_squeeze %dma_start3A_175 : memref<1x784x32xf32, #tpu.memory_space<hbm>> -> memref<784x32xf32, #tpu.memory_space<hbm>>
    %dma_start3A_177 = arith.constant 0 : i32
    %dma_start3A_178 = tpu.memref_slice %arg3[%dma_start3A_173, %min3A_129, %dma_start3A_177] : memref<8x100000x32xf32, #tpu.memory_space<hbm>> -> memref<1x784x32xf32, #tpu.memory_space<hbm>>
    %dma_start3A_179 = tpu.memref_squeeze %dma_start3A_178 : memref<1x784x32xf32, #tpu.memory_space<hbm>> -> memref<784x32xf32, #tpu.memory_space<hbm>>
    tpu.enqueue_dma source(%arg4 : memref<784x32xf32, #tpu.memory_space<vmem>>) target(%dma_start3A_179 : memref<784x32xf32, #tpu.memory_space<hbm>>) target_semaphore(%arg6 : memref<!tpu.dma_semaphore, #tpu.memory_space<semaphore_mem>>)
    %dma_start3A_180 = arith.constant 6 : i32
    %dma_start3A_181 = arith.constant 0 : i32
    %dma_start3A_182 = tpu.memref_slice %arg3[%dma_start3A_180, %min3A_129, %dma_start3A_181] : memref<8x100000x32xf32, #tpu.memory_space<hbm>> -> memref<1x784x32xf32, #tpu.memory_space<hbm>>
    %dma_start3A_183 = tpu.memref_squeeze %dma_start3A_182 : memref<1x784x32xf32, #tpu.memory_space<hbm>> -> memref<784x32xf32, #tpu.memory_space<hbm>>
    %dma_start3A_184 = arith.constant 0 : i32
    %dma_start3A_185 = tpu.memref_slice %arg3[%dma_start3A_180, %min3A_129, %dma_start3A_184] : memref<8x100000x32xf32, #tpu.memory_space<hbm>> -> memref<1x784x32xf32, #tpu.memory_space<hbm>>
    %dma_start3A_186 = tpu.memref_squeeze %dma_start3A_185 : memref<1x784x32xf32, #tpu.memory_space<hbm>> -> memref<784x32xf32, #tpu.memory_space<hbm>>
    tpu.enqueue_dma source(%arg4 : memref<784x32xf32, #tpu.memory_space<vmem>>) target(%dma_start3A_186 : memref<784x32xf32, #tpu.memory_space<hbm>>) target_semaphore(%arg6 : memref<!tpu.dma_semaphore, #tpu.memory_space<semaphore_mem>>)
    %dma_start3A_187 = arith.constant 7 : i32
    %dma_start3A_188 = arith.constant 0 : i32
    %dma_start3A_189 = tpu.memref_slice %arg3[%dma_start3A_187, %min3A_129, %dma_start3A_188] : memref<8x100000x32xf32, #tpu.memory_space<hbm>> -> memref<1x784x32xf32, #tpu.memory_space<hbm>>
    %dma_start3A_190 = tpu.memref_squeeze %dma_start3A_189 : memref<1x784x32xf32, #tpu.memory_space<hbm>> -> memref<784x32xf32, #tpu.memory_space<hbm>>
    %dma_start3A_191 = arith.constant 0 : i32
    %dma_start3A_192 = tpu.memref_slice %arg3[%dma_start3A_187, %min3A_129, %dma_start3A_191] : memref<8x100000x32xf32, #tpu.memory_space<hbm>> -> memref<1x784x32xf32, #tpu.memory_space<hbm>>
    %dma_start3A_193 = tpu.memref_squeeze %dma_start3A_192 : memref<1x784x32xf32, #tpu.memory_space<hbm>> -> memref<784x32xf32, #tpu.memory_space<hbm>>
    tpu.enqueue_dma source(%arg4 : memref<784x32xf32, #tpu.memory_space<vmem>>) target(%dma_start3A_193 : memref<784x32xf32, #tpu.memory_space<hbm>>) target_semaphore(%arg6 : memref<!tpu.dma_semaphore, #tpu.memory_space<semaphore_mem>>)
    %dma_wait3A_194 = arith.constant 0 : i32
    %dma_wait3A_195 = arith.constant 0 : i32
    %dma_wait3A_196 = tpu.memref_slice %arg3[%dma_wait3A_194, %min3A_129, %dma_wait3A_195] : memref<8x100000x32xf32, #tpu.memory_space<hbm>> -> memref<1x784x32xf32, #tpu.memory_space<hbm>>
    %dma_wait3A_197 = tpu.memref_squeeze %dma_wait3A_196 : memref<1x784x32xf32, #tpu.memory_space<hbm>> -> memref<784x32xf32, #tpu.memory_space<hbm>>
    %dma_wait3A_198 = arith.constant 0 : i32
    %dma_wait3A_199 = tpu.memref_slice %arg3[%dma_wait3A_194, %min3A_129, %dma_wait3A_198] : memref<8x100000x32xf32, #tpu.memory_space<hbm>> -> memref<1x784x32xf32, #tpu.memory_space<hbm>>
    %dma_wait3A_200 = tpu.memref_squeeze %dma_wait3A_199 : memref<1x784x32xf32, #tpu.memory_space<hbm>> -> memref<784x32xf32, #tpu.memory_space<hbm>>
    tpu.wait_dma2 semaphore(%arg6 : memref<!tpu.dma_semaphore, #tpu.memory_space<semaphore_mem>>) src(%arg4 : memref<784x32xf32, #tpu.memory_space<vmem>>) dst(%dma_wait3A_200 : memref<784x32xf32, #tpu.memory_space<hbm>>)
    %dma_wait3A_201 = arith.constant 1 : i32
    %dma_wait3A_202 = arith.constant 0 : i32
    %dma_wait3A_203 = tpu.memref_slice %arg3[%dma_wait3A_201, %min3A_129, %dma_wait3A_202] : memref<8x100000x32xf32, #tpu.memory_space<hbm>> -> memref<1x784x32xf32, #tpu.memory_space<hbm>>
    %dma_wait3A_204 = tpu.memref_squeeze %dma_wait3A_203 : memref<1x784x32xf32, #tpu.memory_space<hbm>> -> memref<784x32xf32, #tpu.memory_space<hbm>>
    %dma_wait3A_205 = arith.constant 0 : i32
    %dma_wait3A_206 = tpu.memref_slice %arg3[%dma_wait3A_201, %min3A_129, %dma_wait3A_205] : memref<8x100000x32xf32, #tpu.memory_space<hbm>> -> memref<1x784x32xf32, #tpu.memory_space<hbm>>
    %dma_wait3A_207 = tpu.memref_squeeze %dma_wait3A_206 : memref<1x784x32xf32, #tpu.memory_space<hbm>> -> memref<784x32xf32, #tpu.memory_space<hbm>>
    tpu.wait_dma2 semaphore(%arg6 : memref<!tpu.dma_semaphore, #tpu.memory_space<semaphore_mem>>) src(%arg4 : memref<784x32xf32, #tpu.memory_space<vmem>>) dst(%dma_wait3A_207 : memref<784x32xf32, #tpu.memory_space<hbm>>)
    %dma_wait3A_208 = arith.constant 2 : i32
    %dma_wait3A_209 = arith.constant 0 : i32
    %dma_wait3A_210 = tpu.memref_slice %arg3[%dma_wait3A_208, %min3A_129, %dma_wait3A_209] : memref<8x100000x32xf32, #tpu.memory_space<hbm>> -> memref<1x784x32xf32, #tpu.memory_space<hbm>>
    %dma_wait3A_211 = tpu.memref_squeeze %dma_wait3A_210 : memref<1x784x32xf32, #tpu.memory_space<hbm>> -> memref<784x32xf32, #tpu.memory_space<hbm>>
    %dma_wait3A_212 = arith.constant 0 : i32
    %dma_wait3A_213 = tpu.memref_slice %arg3[%dma_wait3A_208, %min3A_129, %dma_wait3A_212] : memref<8x100000x32xf32, #tpu.memory_space<hbm>> -> memref<1x784x32xf32, #tpu.memory_space<hbm>>
    %dma_wait3A_214 = tpu.memref_squeeze %dma_wait3A_213 : memref<1x784x32xf32, #tpu.memory_space<hbm>> -> memref<784x32xf32, #tpu.memory_space<hbm>>
    tpu.wait_dma2 semaphore(%arg6 : memref<!tpu.dma_semaphore, #tpu.memory_space<semaphore_mem>>) src(%arg4 : memref<784x32xf32, #tpu.memory_space<vmem>>) dst(%dma_wait3A_214 : memref<784x32xf32, #tpu.memory_space<hbm>>)
    %dma_wait3A_215 = arith.constant 3 : i32
    %dma_wait3A_216 = arith.constant 0 : i32
    %dma_wait3A_217 = tpu.memref_slice %arg3[%dma_wait3A_215, %min3A_129, %dma_wait3A_216] : memref<8x100000x32xf32, #tpu.memory_space<hbm>> -> memref<1x784x32xf32, #tpu.memory_space<hbm>>
    %dma_wait3A_218 = tpu.memref_squeeze %dma_wait3A_217 : memref<1x784x32xf32, #tpu.memory_space<hbm>> -> memref<784x32xf32, #tpu.memory_space<hbm>>
    %dma_wait3A_219 = arith.constant 0 : i32
    %dma_wait3A_220 = tpu.memref_slice %arg3[%dma_wait3A_215, %min3A_129, %dma_wait3A_219] : memref<8x100000x32xf32, #tpu.memory_space<hbm>> -> memref<1x784x32xf32, #tpu.memory_space<hbm>>
    %dma_wait3A_221 = tpu.memref_squeeze %dma_wait3A_220 : memref<1x784x32xf32, #tpu.memory_space<hbm>> -> memref<784x32xf32, #tpu.memory_space<hbm>>
    tpu.wait_dma2 semaphore(%arg6 : memref<!tpu.dma_semaphore, #tpu.memory_space<semaphore_mem>>) src(%arg4 : memref<784x32xf32, #tpu.memory_space<vmem>>) dst(%dma_wait3A_221 : memref<784x32xf32, #tpu.memory_space<hbm>>)
    %dma_wait3A_222 = arith.constant 4 : i32
    %dma_wait3A_223 = arith.constant 0 : i32
    %dma_wait3A_224 = tpu.memref_slice %arg3[%dma_wait3A_222, %min3A_129, %dma_wait3A_223] : memref<8x100000x32xf32, #tpu.memory_space<hbm>> -> memref<1x784x32xf32, #tpu.memory_space<hbm>>
    %dma_wait3A_225 = tpu.memref_squeeze %dma_wait3A_224 : memref<1x784x32xf32, #tpu.memory_space<hbm>> -> memref<784x32xf32, #tpu.memory_space<hbm>>
    %dma_wait3A_226 = arith.constant 0 : i32
    %dma_wait3A_227 = tpu.memref_slice %arg3[%dma_wait3A_222, %min3A_129, %dma_wait3A_226] : memref<8x100000x32xf32, #tpu.memory_space<hbm>> -> memref<1x784x32xf32, #tpu.memory_space<hbm>>
    %dma_wait3A_228 = tpu.memref_squeeze %dma_wait3A_227 : memref<1x784x32xf32, #tpu.memory_space<hbm>> -> memref<784x32xf32, #tpu.memory_space<hbm>>
    tpu.wait_dma2 semaphore(%arg6 : memref<!tpu.dma_semaphore, #tpu.memory_space<semaphore_mem>>) src(%arg4 : memref<784x32xf32, #tpu.memory_space<vmem>>) dst(%dma_wait3A_228 : memref<784x32xf32, #tpu.memory_space<hbm>>)
    %dma_wait3A_229 = arith.constant 5 : i32
    %dma_wait3A_230 = arith.constant 0 : i32
    %dma_wait3A_231 = tpu.memref_slice %arg3[%dma_wait3A_229, %min3A_129, %dma_wait3A_230] : memref<8x100000x32xf32, #tpu.memory_space<hbm>> -> memref<1x784x32xf32, #tpu.memory_space<hbm>>
    %dma_wait3A_232 = tpu.memref_squeeze %dma_wait3A_231 : memref<1x784x32xf32, #tpu.memory_space<hbm>> -> memref<784x32xf32, #tpu.memory_space<hbm>>
    %dma_wait3A_233 = arith.constant 0 : i32
    %dma_wait3A_234 = tpu.memref_slice %arg3[%dma_wait3A_229, %min3A_129, %dma_wait3A_233] : memref<8x100000x32xf32, #tpu.memory_space<hbm>> -> memref<1x784x32xf32, #tpu.memory_space<hbm>>
    %dma_wait3A_235 = tpu.memref_squeeze %dma_wait3A_234 : memref<1x784x32xf32, #tpu.memory_space<hbm>> -> memref<784x32xf32, #tpu.memory_space<hbm>>
    tpu.wait_dma2 semaphore(%arg6 : memref<!tpu.dma_semaphore, #tpu.memory_space<semaphore_mem>>) src(%arg4 : memref<784x32xf32, #tpu.memory_space<vmem>>) dst(%dma_wait3A_235 : memref<784x32xf32, #tpu.memory_space<hbm>>)
    %dma_wait3A_236 = arith.constant 6 : i32
    %dma_wait3A_237 = arith.constant 0 : i32
    %dma_wait3A_238 = tpu.memref_slice %arg3[%dma_wait3A_236, %min3A_129, %dma_wait3A_237] : memref<8x100000x32xf32, #tpu.memory_space<hbm>> -> memref<1x784x32xf32, #tpu.memory_space<hbm>>
    %dma_wait3A_239 = tpu.memref_squeeze %dma_wait3A_238 : memref<1x784x32xf32, #tpu.memory_space<hbm>> -> memref<784x32xf32, #tpu.memory_space<hbm>>
    %dma_wait3A_240 = arith.constant 0 : i32
    %dma_wait3A_241 = tpu.memref_slice %arg3[%dma_wait3A_236, %min3A_129, %dma_wait3A_240] : memref<8x100000x32xf32, #tpu.memory_space<hbm>> -> memref<1x784x32xf32, #tpu.memory_space<hbm>>
    %dma_wait3A_242 = tpu.memref_squeeze %dma_wait3A_241 : memref<1x784x32xf32, #tpu.memory_space<hbm>> -> memref<784x32xf32, #tpu.memory_space<hbm>>
    tpu.wait_dma2 semaphore(%arg6 : memref<!tpu.dma_semaphore, #tpu.memory_space<semaphore_mem>>) src(%arg4 : memref<784x32xf32, #tpu.memory_space<vmem>>) dst(%dma_wait3A_242 : memref<784x32xf32, #tpu.memory_space<hbm>>)
    %dma_wait3A_243 = arith.constant 7 : i32
    %dma_wait3A_244 = arith.constant 0 : i32
    %dma_wait3A_245 = tpu.memref_slice %arg3[%dma_wait3A_243, %min3A_129, %dma_wait3A_244] : memref<8x100000x32xf32, #tpu.memory_space<hbm>> -> memref<1x784x32xf32, #tpu.memory_space<hbm>>
    %dma_wait3A_246 = tpu.memref_squeeze %dma_wait3A_245 : memref<1x784x32xf32, #tpu.memory_space<hbm>> -> memref<784x32xf32, #tpu.memory_space<hbm>>
    %dma_wait3A_247 = arith.constant 0 : i32
    %dma_wait3A_248 = tpu.memref_slice %arg3[%dma_wait3A_243, %min3A_129, %dma_wait3A_247] : memref<8x100000x32xf32, #tpu.memory_space<hbm>> -> memref<1x784x32xf32, #tpu.memory_space<hbm>>
    %dma_wait3A_249 = tpu.memref_squeeze %dma_wait3A_248 : memref<1x784x32xf32, #tpu.memory_space<hbm>> -> memref<784x32xf32, #tpu.memory_space<hbm>>
    tpu.wait_dma2 semaphore(%arg6 : memref<!tpu.dma_semaphore, #tpu.memory_space<semaphore_mem>>) src(%arg4 : memref<784x32xf32, #tpu.memory_space<vmem>>) dst(%dma_wait3A_249 : memref<784x32xf32, #tpu.memory_space<hbm>>)
    %mul3A_250 = arith.constant 3136 : i32
    %mul3A_251 = arith.muli %add3A, %mul3A_250 : i32
    %add3A_252 = arith.constant 1568 : i32
    %add3A_253 = arith.addi %mul3A_251, %add3A_252 : i32
    %min3A_254 = arith.constant 99216 : i32
    %min3A_255 = arith.minsi %add3A_253, %min3A_254 : i32
    %dma_start3A_256 = arith.constant 0 : i32
    %dma_start3A_257 = tpu.memref_slice %arg2[%min3A_255, %dma_start3A_256] : memref<100000x32xf32, #tpu.memory_space<hbm>> -> memref<784x32xf32, #tpu.memory_space<hbm>>
    %dma_start3A_258 = arith.constant 0 : i32
    %dma_start3A_259 = tpu.memref_slice %arg2[%min3A_255, %dma_start3A_258] : memref<100000x32xf32, #tpu.memory_space<hbm>> -> memref<784x32xf32, #tpu.memory_space<hbm>>
    tpu.enqueue_dma source(%dma_start3A_259 : memref<784x32xf32, #tpu.memory_space<hbm>>) target(%arg4 : memref<784x32xf32, #tpu.memory_space<vmem>>) target_semaphore(%arg5 : memref<!tpu.dma_semaphore, #tpu.memory_space<semaphore_mem>>)
    %dma_wait3A_260 = arith.constant 0 : i32
    %dma_wait3A_261 = tpu.memref_slice %arg2[%min3A_255, %dma_wait3A_260] : memref<100000x32xf32, #tpu.memory_space<hbm>> -> memref<784x32xf32, #tpu.memory_space<hbm>>
    %dma_wait3A_262 = arith.constant 0 : i32
    %dma_wait3A_263 = tpu.memref_slice %arg2[%min3A_255, %dma_wait3A_262] : memref<100000x32xf32, #tpu.memory_space<hbm>> -> memref<784x32xf32, #tpu.memory_space<hbm>>
    tpu.wait_dma2 semaphore(%arg5 : memref<!tpu.dma_semaphore, #tpu.memory_space<semaphore_mem>>) src(%dma_wait3A_263 : memref<784x32xf32, #tpu.memory_space<hbm>>) dst(%arg4 : memref<784x32xf32, #tpu.memory_space<vmem>>)
    %dma_start3A_264 = arith.constant 0 : i32
    %dma_start3A_265 = arith.constant 0 : i32
    %dma_start3A_266 = tpu.memref_slice %arg3[%dma_start3A_264, %min3A_255, %dma_start3A_265] : memref<8x100000x32xf32, #tpu.memory_space<hbm>> -> memref<1x784x32xf32, #tpu.memory_space<hbm>>
    %dma_start3A_267 = tpu.memref_squeeze %dma_start3A_266 : memref<1x784x32xf32, #tpu.memory_space<hbm>> -> memref<784x32xf32, #tpu.memory_space<hbm>>
    %dma_start3A_268 = arith.constant 0 : i32
    %dma_start3A_269 = tpu.memref_slice %arg3[%dma_start3A_264, %min3A_255, %dma_start3A_268] : memref<8x100000x32xf32, #tpu.memory_space<hbm>> -> memref<1x784x32xf32, #tpu.memory_space<hbm>>
    %dma_start3A_270 = tpu.memref_squeeze %dma_start3A_269 : memref<1x784x32xf32, #tpu.memory_space<hbm>> -> memref<784x32xf32, #tpu.memory_space<hbm>>
    tpu.enqueue_dma source(%arg4 : memref<784x32xf32, #tpu.memory_space<vmem>>) target(%dma_start3A_270 : memref<784x32xf32, #tpu.memory_space<hbm>>) target_semaphore(%arg6 : memref<!tpu.dma_semaphore, #tpu.memory_space<semaphore_mem>>)
    %dma_start3A_271 = arith.constant 1 : i32
    %dma_start3A_272 = arith.constant 0 : i32
    %dma_start3A_273 = tpu.memref_slice %arg3[%dma_start3A_271, %min3A_255, %dma_start3A_272] : memref<8x100000x32xf32, #tpu.memory_space<hbm>> -> memref<1x784x32xf32, #tpu.memory_space<hbm>>
    %dma_start3A_274 = tpu.memref_squeeze %dma_start3A_273 : memref<1x784x32xf32, #tpu.memory_space<hbm>> -> memref<784x32xf32, #tpu.memory_space<hbm>>
    %dma_start3A_275 = arith.constant 0 : i32
    %dma_start3A_276 = tpu.memref_slice %arg3[%dma_start3A_271, %min3A_255, %dma_start3A_275] : memref<8x100000x32xf32, #tpu.memory_space<hbm>> -> memref<1x784x32xf32, #tpu.memory_space<hbm>>
    %dma_start3A_277 = tpu.memref_squeeze %dma_start3A_276 : memref<1x784x32xf32, #tpu.memory_space<hbm>> -> memref<784x32xf32, #tpu.memory_space<hbm>>
    tpu.enqueue_dma source(%arg4 : memref<784x32xf32, #tpu.memory_space<vmem>>) target(%dma_start3A_277 : memref<784x32xf32, #tpu.memory_space<hbm>>) target_semaphore(%arg6 : memref<!tpu.dma_semaphore, #tpu.memory_space<semaphore_mem>>)
    %dma_start3A_278 = arith.constant 2 : i32
    %dma_start3A_279 = arith.constant 0 : i32
    %dma_start3A_280 = tpu.memref_slice %arg3[%dma_start3A_278, %min3A_255, %dma_start3A_279] : memref<8x100000x32xf32, #tpu.memory_space<hbm>> -> memref<1x784x32xf32, #tpu.memory_space<hbm>>
    %dma_start3A_281 = tpu.memref_squeeze %dma_start3A_280 : memref<1x784x32xf32, #tpu.memory_space<hbm>> -> memref<784x32xf32, #tpu.memory_space<hbm>>
    %dma_start3A_282 = arith.constant 0 : i32
    %dma_start3A_283 = tpu.memref_slice %arg3[%dma_start3A_278, %min3A_255, %dma_start3A_282] : memref<8x100000x32xf32, #tpu.memory_space<hbm>> -> memref<1x784x32xf32, #tpu.memory_space<hbm>>
    %dma_start3A_284 = tpu.memref_squeeze %dma_start3A_283 : memref<1x784x32xf32, #tpu.memory_space<hbm>> -> memref<784x32xf32, #tpu.memory_space<hbm>>
    tpu.enqueue_dma source(%arg4 : memref<784x32xf32, #tpu.memory_space<vmem>>) target(%dma_start3A_284 : memref<784x32xf32, #tpu.memory_space<hbm>>) target_semaphore(%arg6 : memref<!tpu.dma_semaphore, #tpu.memory_space<semaphore_mem>>)
    %dma_start3A_285 = arith.constant 3 : i32
    %dma_start3A_286 = arith.constant 0 : i32
    %dma_start3A_287 = tpu.memref_slice %arg3[%dma_start3A_285, %min3A_255, %dma_start3A_286] : memref<8x100000x32xf32, #tpu.memory_space<hbm>> -> memref<1x784x32xf32, #tpu.memory_space<hbm>>
    %dma_start3A_288 = tpu.memref_squeeze %dma_start3A_287 : memref<1x784x32xf32, #tpu.memory_space<hbm>> -> memref<784x32xf32, #tpu.memory_space<hbm>>
    %dma_start3A_289 = arith.constant 0 : i32
    %dma_start3A_290 = tpu.memref_slice %arg3[%dma_start3A_285, %min3A_255, %dma_start3A_289] : memref<8x100000x32xf32, #tpu.memory_space<hbm>> -> memref<1x784x32xf32, #tpu.memory_space<hbm>>
    %dma_start3A_291 = tpu.memref_squeeze %dma_start3A_290 : memref<1x784x32xf32, #tpu.memory_space<hbm>> -> memref<784x32xf32, #tpu.memory_space<hbm>>
    tpu.enqueue_dma source(%arg4 : memref<784x32xf32, #tpu.memory_space<vmem>>) target(%dma_start3A_291 : memref<784x32xf32, #tpu.memory_space<hbm>>) target_semaphore(%arg6 : memref<!tpu.dma_semaphore, #tpu.memory_space<semaphore_mem>>)
    %dma_start3A_292 = arith.constant 4 : i32
    %dma_start3A_293 = arith.constant 0 : i32
    %dma_start3A_294 = tpu.memref_slice %arg3[%dma_start3A_292, %min3A_255, %dma_start3A_293] : memref<8x100000x32xf32, #tpu.memory_space<hbm>> -> memref<1x784x32xf32, #tpu.memory_space<hbm>>
    %dma_start3A_295 = tpu.memref_squeeze %dma_start3A_294 : memref<1x784x32xf32, #tpu.memory_space<hbm>> -> memref<784x32xf32, #tpu.memory_space<hbm>>
    %dma_start3A_296 = arith.constant 0 : i32
    %dma_start3A_297 = tpu.memref_slice %arg3[%dma_start3A_292, %min3A_255, %dma_start3A_296] : memref<8x100000x32xf32, #tpu.memory_space<hbm>> -> memref<1x784x32xf32, #tpu.memory_space<hbm>>
    %dma_start3A_298 = tpu.memref_squeeze %dma_start3A_297 : memref<1x784x32xf32, #tpu.memory_space<hbm>> -> memref<784x32xf32, #tpu.memory_space<hbm>>
    tpu.enqueue_dma source(%arg4 : memref<784x32xf32, #tpu.memory_space<vmem>>) target(%dma_start3A_298 : memref<784x32xf32, #tpu.memory_space<hbm>>) target_semaphore(%arg6 : memref<!tpu.dma_semaphore, #tpu.memory_space<semaphore_mem>>)
    %dma_start3A_299 = arith.constant 5 : i32
    %dma_start3A_300 = arith.constant 0 : i32
    %dma_start3A_301 = tpu.memref_slice %arg3[%dma_start3A_299, %min3A_255, %dma_start3A_300] : memref<8x100000x32xf32, #tpu.memory_space<hbm>> -> memref<1x784x32xf32, #tpu.memory_space<hbm>>
    %dma_start3A_302 = tpu.memref_squeeze %dma_start3A_301 : memref<1x784x32xf32, #tpu.memory_space<hbm>> -> memref<784x32xf32, #tpu.memory_space<hbm>>
    %dma_start3A_303 = arith.constant 0 : i32
    %dma_start3A_304 = tpu.memref_slice %arg3[%dma_start3A_299, %min3A_255, %dma_start3A_303] : memref<8x100000x32xf32, #tpu.memory_space<hbm>> -> memref<1x784x32xf32, #tpu.memory_space<hbm>>
    %dma_start3A_305 = tpu.memref_squeeze %dma_start3A_304 : memref<1x784x32xf32, #tpu.memory_space<hbm>> -> memref<784x32xf32, #tpu.memory_space<hbm>>
    tpu.enqueue_dma source(%arg4 : memref<784x32xf32, #tpu.memory_space<vmem>>) target(%dma_start3A_305 : memref<784x32xf32, #tpu.memory_space<hbm>>) target_semaphore(%arg6 : memref<!tpu.dma_semaphore, #tpu.memory_space<semaphore_mem>>)
    %dma_start3A_306 = arith.constant 6 : i32
    %dma_start3A_307 = arith.constant 0 : i32
    %dma_start3A_308 = tpu.memref_slice %arg3[%dma_start3A_306, %min3A_255, %dma_start3A_307] : memref<8x100000x32xf32, #tpu.memory_space<hbm>> -> memref<1x784x32xf32, #tpu.memory_space<hbm>>
    %dma_start3A_309 = tpu.memref_squeeze %dma_start3A_308 : memref<1x784x32xf32, #tpu.memory_space<hbm>> -> memref<784x32xf32, #tpu.memory_space<hbm>>
    %dma_start3A_310 = arith.constant 0 : i32
    %dma_start3A_311 = tpu.memref_slice %arg3[%dma_start3A_306, %min3A_255, %dma_start3A_310] : memref<8x100000x32xf32, #tpu.memory_space<hbm>> -> memref<1x784x32xf32, #tpu.memory_space<hbm>>
    %dma_start3A_312 = tpu.memref_squeeze %dma_start3A_311 : memref<1x784x32xf32, #tpu.memory_space<hbm>> -> memref<784x32xf32, #tpu.memory_space<hbm>>
    tpu.enqueue_dma source(%arg4 : memref<784x32xf32, #tpu.memory_space<vmem>>) target(%dma_start3A_312 : memref<784x32xf32, #tpu.memory_space<hbm>>) target_semaphore(%arg6 : memref<!tpu.dma_semaphore, #tpu.memory_space<semaphore_mem>>)
    %dma_start3A_313 = arith.constant 7 : i32
    %dma_start3A_314 = arith.constant 0 : i32
    %dma_start3A_315 = tpu.memref_slice %arg3[%dma_start3A_313, %min3A_255, %dma_start3A_314] : memref<8x100000x32xf32, #tpu.memory_space<hbm>> -> memref<1x784x32xf32, #tpu.memory_space<hbm>>
    %dma_start3A_316 = tpu.memref_squeeze %dma_start3A_315 : memref<1x784x32xf32, #tpu.memory_space<hbm>> -> memref<784x32xf32, #tpu.memory_space<hbm>>
    %dma_start3A_317 = arith.constant 0 : i32
    %dma_start3A_318 = tpu.memref_slice %arg3[%dma_start3A_313, %min3A_255, %dma_start3A_317] : memref<8x100000x32xf32, #tpu.memory_space<hbm>> -> memref<1x784x32xf32, #tpu.memory_space<hbm>>
    %dma_start3A_319 = tpu.memref_squeeze %dma_start3A_318 : memref<1x784x32xf32, #tpu.memory_space<hbm>> -> memref<784x32xf32, #tpu.memory_space<hbm>>
    tpu.enqueue_dma source(%arg4 : memref<784x32xf32, #tpu.memory_space<vmem>>) target(%dma_start3A_319 : memref<784x32xf32, #tpu.memory_space<hbm>>) target_semaphore(%arg6 : memref<!tpu.dma_semaphore, #tpu.memory_space<semaphore_mem>>)
    %dma_wait3A_320 = arith.constant 0 : i32
    %dma_wait3A_321 = arith.constant 0 : i32
    %dma_wait3A_322 = tpu.memref_slice %arg3[%dma_wait3A_320, %min3A_255, %dma_wait3A_321] : memref<8x100000x32xf32, #tpu.memory_space<hbm>> -> memref<1x784x32xf32, #tpu.memory_space<hbm>>
    %dma_wait3A_323 = tpu.memref_squeeze %dma_wait3A_322 : memref<1x784x32xf32, #tpu.memory_space<hbm>> -> memref<784x32xf32, #tpu.memory_space<hbm>>
    %dma_wait3A_324 = arith.constant 0 : i32
    %dma_wait3A_325 = tpu.memref_slice %arg3[%dma_wait3A_320, %min3A_255, %dma_wait3A_324] : memref<8x100000x32xf32, #tpu.memory_space<hbm>> -> memref<1x784x32xf32, #tpu.memory_space<hbm>>
    %dma_wait3A_326 = tpu.memref_squeeze %dma_wait3A_325 : memref<1x784x32xf32, #tpu.memory_space<hbm>> -> memref<784x32xf32, #tpu.memory_space<hbm>>
    tpu.wait_dma2 semaphore(%arg6 : memref<!tpu.dma_semaphore, #tpu.memory_space<semaphore_mem>>) src(%arg4 : memref<784x32xf32, #tpu.memory_space<vmem>>) dst(%dma_wait3A_326 : memref<784x32xf32, #tpu.memory_space<hbm>>)
    %dma_wait3A_327 = arith.constant 1 : i32
    %dma_wait3A_328 = arith.constant 0 : i32
    %dma_wait3A_329 = tpu.memref_slice %arg3[%dma_wait3A_327, %min3A_255, %dma_wait3A_328] : memref<8x100000x32xf32, #tpu.memory_space<hbm>> -> memref<1x784x32xf32, #tpu.memory_space<hbm>>
    %dma_wait3A_330 = tpu.memref_squeeze %dma_wait3A_329 : memref<1x784x32xf32, #tpu.memory_space<hbm>> -> memref<784x32xf32, #tpu.memory_space<hbm>>
    %dma_wait3A_331 = arith.constant 0 : i32
    %dma_wait3A_332 = tpu.memref_slice %arg3[%dma_wait3A_327, %min3A_255, %dma_wait3A_331] : memref<8x100000x32xf32, #tpu.memory_space<hbm>> -> memref<1x784x32xf32, #tpu.memory_space<hbm>>
    %dma_wait3A_333 = tpu.memref_squeeze %dma_wait3A_332 : memref<1x784x32xf32, #tpu.memory_space<hbm>> -> memref<784x32xf32, #tpu.memory_space<hbm>>
    tpu.wait_dma2 semaphore(%arg6 : memref<!tpu.dma_semaphore, #tpu.memory_space<semaphore_mem>>) src(%arg4 : memref<784x32xf32, #tpu.memory_space<vmem>>) dst(%dma_wait3A_333 : memref<784x32xf32, #tpu.memory_space<hbm>>)
    %dma_wait3A_334 = arith.constant 2 : i32
    %dma_wait3A_335 = arith.constant 0 : i32
    %dma_wait3A_336 = tpu.memref_slice %arg3[%dma_wait3A_334, %min3A_255, %dma_wait3A_335] : memref<8x100000x32xf32, #tpu.memory_space<hbm>> -> memref<1x784x32xf32, #tpu.memory_space<hbm>>
    %dma_wait3A_337 = tpu.memref_squeeze %dma_wait3A_336 : memref<1x784x32xf32, #tpu.memory_space<hbm>> -> memref<784x32xf32, #tpu.memory_space<hbm>>
    %dma_wait3A_338 = arith.constant 0 : i32
    %dma_wait3A_339 = tpu.memref_slice %arg3[%dma_wait3A_334, %min3A_255, %dma_wait3A_338] : memref<8x100000x32xf32, #tpu.memory_space<hbm>> -> memref<1x784x32xf32, #tpu.memory_space<hbm>>
    %dma_wait3A_340 = tpu.memref_squeeze %dma_wait3A_339 : memref<1x784x32xf32, #tpu.memory_space<hbm>> -> memref<784x32xf32, #tpu.memory_space<hbm>>
    tpu.wait_dma2 semaphore(%arg6 : memref<!tpu.dma_semaphore, #tpu.memory_space<semaphore_mem>>) src(%arg4 : memref<784x32xf32, #tpu.memory_space<vmem>>) dst(%dma_wait3A_340 : memref<784x32xf32, #tpu.memory_space<hbm>>)
    %dma_wait3A_341 = arith.constant 3 : i32
    %dma_wait3A_342 = arith.constant 0 : i32
    %dma_wait3A_343 = tpu.memref_slice %arg3[%dma_wait3A_341, %min3A_255, %dma_wait3A_342] : memref<8x100000x32xf32, #tpu.memory_space<hbm>> -> memref<1x784x32xf32, #tpu.memory_space<hbm>>
    %dma_wait3A_344 = tpu.memref_squeeze %dma_wait3A_343 : memref<1x784x32xf32, #tpu.memory_space<hbm>> -> memref<784x32xf32, #tpu.memory_space<hbm>>
    %dma_wait3A_345 = arith.constant 0 : i32
    %dma_wait3A_346 = tpu.memref_slice %arg3[%dma_wait3A_341, %min3A_255, %dma_wait3A_345] : memref<8x100000x32xf32, #tpu.memory_space<hbm>> -> memref<1x784x32xf32, #tpu.memory_space<hbm>>
    %dma_wait3A_347 = tpu.memref_squeeze %dma_wait3A_346 : memref<1x784x32xf32, #tpu.memory_space<hbm>> -> memref<784x32xf32, #tpu.memory_space<hbm>>
    tpu.wait_dma2 semaphore(%arg6 : memref<!tpu.dma_semaphore, #tpu.memory_space<semaphore_mem>>) src(%arg4 : memref<784x32xf32, #tpu.memory_space<vmem>>) dst(%dma_wait3A_347 : memref<784x32xf32, #tpu.memory_space<hbm>>)
    %dma_wait3A_348 = arith.constant 4 : i32
    %dma_wait3A_349 = arith.constant 0 : i32
    %dma_wait3A_350 = tpu.memref_slice %arg3[%dma_wait3A_348, %min3A_255, %dma_wait3A_349] : memref<8x100000x32xf32, #tpu.memory_space<hbm>> -> memref<1x784x32xf32, #tpu.memory_space<hbm>>
    %dma_wait3A_351 = tpu.memref_squeeze %dma_wait3A_350 : memref<1x784x32xf32, #tpu.memory_space<hbm>> -> memref<784x32xf32, #tpu.memory_space<hbm>>
    %dma_wait3A_352 = arith.constant 0 : i32
    %dma_wait3A_353 = tpu.memref_slice %arg3[%dma_wait3A_348, %min3A_255, %dma_wait3A_352] : memref<8x100000x32xf32, #tpu.memory_space<hbm>> -> memref<1x784x32xf32, #tpu.memory_space<hbm>>
    %dma_wait3A_354 = tpu.memref_squeeze %dma_wait3A_353 : memref<1x784x32xf32, #tpu.memory_space<hbm>> -> memref<784x32xf32, #tpu.memory_space<hbm>>
    tpu.wait_dma2 semaphore(%arg6 : memref<!tpu.dma_semaphore, #tpu.memory_space<semaphore_mem>>) src(%arg4 : memref<784x32xf32, #tpu.memory_space<vmem>>) dst(%dma_wait3A_354 : memref<784x32xf32, #tpu.memory_space<hbm>>)
    %dma_wait3A_355 = arith.constant 5 : i32
    %dma_wait3A_356 = arith.constant 0 : i32
    %dma_wait3A_357 = tpu.memref_slice %arg3[%dma_wait3A_355, %min3A_255, %dma_wait3A_356] : memref<8x100000x32xf32, #tpu.memory_space<hbm>> -> memref<1x784x32xf32, #tpu.memory_space<hbm>>
    %dma_wait3A_358 = tpu.memref_squeeze %dma_wait3A_357 : memref<1x784x32xf32, #tpu.memory_space<hbm>> -> memref<784x32xf32, #tpu.memory_space<hbm>>
    %dma_wait3A_359 = arith.constant 0 : i32
    %dma_wait3A_360 = tpu.memref_slice %arg3[%dma_wait3A_355, %min3A_255, %dma_wait3A_359] : memref<8x100000x32xf32, #tpu.memory_space<hbm>> -> memref<1x784x32xf32, #tpu.memory_space<hbm>>
    %dma_wait3A_361 = tpu.memref_squeeze %dma_wait3A_360 : memref<1x784x32xf32, #tpu.memory_space<hbm>> -> memref<784x32xf32, #tpu.memory_space<hbm>>
    tpu.wait_dma2 semaphore(%arg6 : memref<!tpu.dma_semaphore, #tpu.memory_space<semaphore_mem>>) src(%arg4 : memref<784x32xf32, #tpu.memory_space<vmem>>) dst(%dma_wait3A_361 : memref<784x32xf32, #tpu.memory_space<hbm>>)
    %dma_wait3A_362 = arith.constant 6 : i32
    %dma_wait3A_363 = arith.constant 0 : i32
    %dma_wait3A_364 = tpu.memref_slice %arg3[%dma_wait3A_362, %min3A_255, %dma_wait3A_363] : memref<8x100000x32xf32, #tpu.memory_space<hbm>> -> memref<1x784x32xf32, #tpu.memory_space<hbm>>
    %dma_wait3A_365 = tpu.memref_squeeze %dma_wait3A_364 : memref<1x784x32xf32, #tpu.memory_space<hbm>> -> memref<784x32xf32, #tpu.memory_space<hbm>>
    %dma_wait3A_366 = arith.constant 0 : i32
    %dma_wait3A_367 = tpu.memref_slice %arg3[%dma_wait3A_362, %min3A_255, %dma_wait3A_366] : memref<8x100000x32xf32, #tpu.memory_space<hbm>> -> memref<1x784x32xf32, #tpu.memory_space<hbm>>
    %dma_wait3A_368 = tpu.memref_squeeze %dma_wait3A_367 : memref<1x784x32xf32, #tpu.memory_space<hbm>> -> memref<784x32xf32, #tpu.memory_space<hbm>>
    tpu.wait_dma2 semaphore(%arg6 : memref<!tpu.dma_semaphore, #tpu.memory_space<semaphore_mem>>) src(%arg4 : memref<784x32xf32, #tpu.memory_space<vmem>>) dst(%dma_wait3A_368 : memref<784x32xf32, #tpu.memory_space<hbm>>)
    %dma_wait3A_369 = arith.constant 7 : i32
    %dma_wait3A_370 = arith.constant 0 : i32
    %dma_wait3A_371 = tpu.memref_slice %arg3[%dma_wait3A_369, %min3A_255, %dma_wait3A_370] : memref<8x100000x32xf32, #tpu.memory_space<hbm>> -> memref<1x784x32xf32, #tpu.memory_space<hbm>>
    %dma_wait3A_372 = tpu.memref_squeeze %dma_wait3A_371 : memref<1x784x32xf32, #tpu.memory_space<hbm>> -> memref<784x32xf32, #tpu.memory_space<hbm>>
    %dma_wait3A_373 = arith.constant 0 : i32
    %dma_wait3A_374 = tpu.memref_slice %arg3[%dma_wait3A_369, %min3A_255, %dma_wait3A_373] : memref<8x100000x32xf32, #tpu.memory_space<hbm>> -> memref<1x784x32xf32, #tpu.memory_space<hbm>>
    %dma_wait3A_375 = tpu.memref_squeeze %dma_wait3A_374 : memref<1x784x32xf32, #tpu.memory_space<hbm>> -> memref<784x32xf32, #tpu.memory_space<hbm>>
    tpu.wait_dma2 semaphore(%arg6 : memref<!tpu.dma_semaphore, #tpu.memory_space<semaphore_mem>>) src(%arg4 : memref<784x32xf32, #tpu.memory_space<vmem>>) dst(%dma_wait3A_375 : memref<784x32xf32, #tpu.memory_space<hbm>>)
    %mul3A_376 = arith.constant 3136 : i32
    %mul3A_377 = arith.muli %add3A, %mul3A_376 : i32
    %add3A_378 = arith.constant 2352 : i32
    %add3A_379 = arith.addi %mul3A_377, %add3A_378 : i32
    %min3A_380 = arith.constant 99216 : i32
    %min3A_381 = arith.minsi %add3A_379, %min3A_380 : i32
    %dma_start3A_382 = arith.constant 0 : i32
    %dma_start3A_383 = tpu.memref_slice %arg2[%min3A_381, %dma_start3A_382] : memref<100000x32xf32, #tpu.memory_space<hbm>> -> memref<784x32xf32, #tpu.memory_space<hbm>>
    %dma_start3A_384 = arith.constant 0 : i32
    %dma_start3A_385 = tpu.memref_slice %arg2[%min3A_381, %dma_start3A_384] : memref<100000x32xf32, #tpu.memory_space<hbm>> -> memref<784x32xf32, #tpu.memory_space<hbm>>
    tpu.enqueue_dma source(%dma_start3A_385 : memref<784x32xf32, #tpu.memory_space<hbm>>) target(%arg4 : memref<784x32xf32, #tpu.memory_space<vmem>>) target_semaphore(%arg5 : memref<!tpu.dma_semaphore, #tpu.memory_space<semaphore_mem>>)
    %dma_wait3A_386 = arith.constant 0 : i32
    %dma_wait3A_387 = tpu.memref_slice %arg2[%min3A_381, %dma_wait3A_386] : memref<100000x32xf32, #tpu.memory_space<hbm>> -> memref<784x32xf32, #tpu.memory_space<hbm>>
    %dma_wait3A_388 = arith.constant 0 : i32
    %dma_wait3A_389 = tpu.memref_slice %arg2[%min3A_381, %dma_wait3A_388] : memref<100000x32xf32, #tpu.memory_space<hbm>> -> memref<784x32xf32, #tpu.memory_space<hbm>>
    tpu.wait_dma2 semaphore(%arg5 : memref<!tpu.dma_semaphore, #tpu.memory_space<semaphore_mem>>) src(%dma_wait3A_389 : memref<784x32xf32, #tpu.memory_space<hbm>>) dst(%arg4 : memref<784x32xf32, #tpu.memory_space<vmem>>)
    %dma_start3A_390 = arith.constant 0 : i32
    %dma_start3A_391 = arith.constant 0 : i32
    %dma_start3A_392 = tpu.memref_slice %arg3[%dma_start3A_390, %min3A_381, %dma_start3A_391] : memref<8x100000x32xf32, #tpu.memory_space<hbm>> -> memref<1x784x32xf32, #tpu.memory_space<hbm>>
    %dma_start3A_393 = tpu.memref_squeeze %dma_start3A_392 : memref<1x784x32xf32, #tpu.memory_space<hbm>> -> memref<784x32xf32, #tpu.memory_space<hbm>>
    %dma_start3A_394 = arith.constant 0 : i32
    %dma_start3A_395 = tpu.memref_slice %arg3[%dma_start3A_390, %min3A_381, %dma_start3A_394] : memref<8x100000x32xf32, #tpu.memory_space<hbm>> -> memref<1x784x32xf32, #tpu.memory_space<hbm>>
    %dma_start3A_396 = tpu.memref_squeeze %dma_start3A_395 : memref<1x784x32xf32, #tpu.memory_space<hbm>> -> memref<784x32xf32, #tpu.memory_space<hbm>>
    tpu.enqueue_dma source(%arg4 : memref<784x32xf32, #tpu.memory_space<vmem>>) target(%dma_start3A_396 : memref<784x32xf32, #tpu.memory_space<hbm>>) target_semaphore(%arg6 : memref<!tpu.dma_semaphore, #tpu.memory_space<semaphore_mem>>)
    %dma_start3A_397 = arith.constant 1 : i32
    %dma_start3A_398 = arith.constant 0 : i32
    %dma_start3A_399 = tpu.memref_slice %arg3[%dma_start3A_397, %min3A_381, %dma_start3A_398] : memref<8x100000x32xf32, #tpu.memory_space<hbm>> -> memref<1x784x32xf32, #tpu.memory_space<hbm>>
    %dma_start3A_400 = tpu.memref_squeeze %dma_start3A_399 : memref<1x784x32xf32, #tpu.memory_space<hbm>> -> memref<784x32xf32, #tpu.memory_space<hbm>>
    %dma_start3A_401 = arith.constant 0 : i32
    %dma_start3A_402 = tpu.memref_slice %arg3[%dma_start3A_397, %min3A_381, %dma_start3A_401] : memref<8x100000x32xf32, #tpu.memory_space<hbm>> -> memref<1x784x32xf32, #tpu.memory_space<hbm>>
    %dma_start3A_403 = tpu.memref_squeeze %dma_start3A_402 : memref<1x784x32xf32, #tpu.memory_space<hbm>> -> memref<784x32xf32, #tpu.memory_space<hbm>>
    tpu.enqueue_dma source(%arg4 : memref<784x32xf32, #tpu.memory_space<vmem>>) target(%dma_start3A_403 : memref<784x32xf32, #tpu.memory_space<hbm>>) target_semaphore(%arg6 : memref<!tpu.dma_semaphore, #tpu.memory_space<semaphore_mem>>)
    %dma_start3A_404 = arith.constant 2 : i32
    %dma_start3A_405 = arith.constant 0 : i32
    %dma_start3A_406 = tpu.memref_slice %arg3[%dma_start3A_404, %min3A_381, %dma_start3A_405] : memref<8x100000x32xf32, #tpu.memory_space<hbm>> -> memref<1x784x32xf32, #tpu.memory_space<hbm>>
    %dma_start3A_407 = tpu.memref_squeeze %dma_start3A_406 : memref<1x784x32xf32, #tpu.memory_space<hbm>> -> memref<784x32xf32, #tpu.memory_space<hbm>>
    %dma_start3A_408 = arith.constant 0 : i32
    %dma_start3A_409 = tpu.memref_slice %arg3[%dma_start3A_404, %min3A_381, %dma_start3A_408] : memref<8x100000x32xf32, #tpu.memory_space<hbm>> -> memref<1x784x32xf32, #tpu.memory_space<hbm>>
    %dma_start3A_410 = tpu.memref_squeeze %dma_start3A_409 : memref<1x784x32xf32, #tpu.memory_space<hbm>> -> memref<784x32xf32, #tpu.memory_space<hbm>>
    tpu.enqueue_dma source(%arg4 : memref<784x32xf32, #tpu.memory_space<vmem>>) target(%dma_start3A_410 : memref<784x32xf32, #tpu.memory_space<hbm>>) target_semaphore(%arg6 : memref<!tpu.dma_semaphore, #tpu.memory_space<semaphore_mem>>)
    %dma_start3A_411 = arith.constant 3 : i32
    %dma_start3A_412 = arith.constant 0 : i32
    %dma_start3A_413 = tpu.memref_slice %arg3[%dma_start3A_411, %min3A_381, %dma_start3A_412] : memref<8x100000x32xf32, #tpu.memory_space<hbm>> -> memref<1x784x32xf32, #tpu.memory_space<hbm>>
    %dma_start3A_414 = tpu.memref_squeeze %dma_start3A_413 : memref<1x784x32xf32, #tpu.memory_space<hbm>> -> memref<784x32xf32, #tpu.memory_space<hbm>>
    %dma_start3A_415 = arith.constant 0 : i32
    %dma_start3A_416 = tpu.memref_slice %arg3[%dma_start3A_411, %min3A_381, %dma_start3A_415] : memref<8x100000x32xf32, #tpu.memory_space<hbm>> -> memref<1x784x32xf32, #tpu.memory_space<hbm>>
    %dma_start3A_417 = tpu.memref_squeeze %dma_start3A_416 : memref<1x784x32xf32, #tpu.memory_space<hbm>> -> memref<784x32xf32, #tpu.memory_space<hbm>>
    tpu.enqueue_dma source(%arg4 : memref<784x32xf32, #tpu.memory_space<vmem>>) target(%dma_start3A_417 : memref<784x32xf32, #tpu.memory_space<hbm>>) target_semaphore(%arg6 : memref<!tpu.dma_semaphore, #tpu.memory_space<semaphore_mem>>)
    %dma_start3A_418 = arith.constant 4 : i32
    %dma_start3A_419 = arith.constant 0 : i32
    %dma_start3A_420 = tpu.memref_slice %arg3[%dma_start3A_418, %min3A_381, %dma_start3A_419] : memref<8x100000x32xf32, #tpu.memory_space<hbm>> -> memref<1x784x32xf32, #tpu.memory_space<hbm>>
    %dma_start3A_421 = tpu.memref_squeeze %dma_start3A_420 : memref<1x784x32xf32, #tpu.memory_space<hbm>> -> memref<784x32xf32, #tpu.memory_space<hbm>>
    %dma_start3A_422 = arith.constant 0 : i32
    %dma_start3A_423 = tpu.memref_slice %arg3[%dma_start3A_418, %min3A_381, %dma_start3A_422] : memref<8x100000x32xf32, #tpu.memory_space<hbm>> -> memref<1x784x32xf32, #tpu.memory_space<hbm>>
    %dma_start3A_424 = tpu.memref_squeeze %dma_start3A_423 : memref<1x784x32xf32, #tpu.memory_space<hbm>> -> memref<784x32xf32, #tpu.memory_space<hbm>>
    tpu.enqueue_dma source(%arg4 : memref<784x32xf32, #tpu.memory_space<vmem>>) target(%dma_start3A_424 : memref<784x32xf32, #tpu.memory_space<hbm>>) target_semaphore(%arg6 : memref<!tpu.dma_semaphore, #tpu.memory_space<semaphore_mem>>)
    %dma_start3A_425 = arith.constant 5 : i32
    %dma_start3A_426 = arith.constant 0 : i32
    %dma_start3A_427 = tpu.memref_slice %arg3[%dma_start3A_425, %min3A_381, %dma_start3A_426] : memref<8x100000x32xf32, #tpu.memory_space<hbm>> -> memref<1x784x32xf32, #tpu.memory_space<hbm>>
    %dma_start3A_428 = tpu.memref_squeeze %dma_start3A_427 : memref<1x784x32xf32, #tpu.memory_space<hbm>> -> memref<784x32xf32, #tpu.memory_space<hbm>>
    %dma_start3A_429 = arith.constant 0 : i32
    %dma_start3A_430 = tpu.memref_slice %arg3[%dma_start3A_425, %min3A_381, %dma_start3A_429] : memref<8x100000x32xf32, #tpu.memory_space<hbm>> -> memref<1x784x32xf32, #tpu.memory_space<hbm>>
    %dma_start3A_431 = tpu.memref_squeeze %dma_start3A_430 : memref<1x784x32xf32, #tpu.memory_space<hbm>> -> memref<784x32xf32, #tpu.memory_space<hbm>>
    tpu.enqueue_dma source(%arg4 : memref<784x32xf32, #tpu.memory_space<vmem>>) target(%dma_start3A_431 : memref<784x32xf32, #tpu.memory_space<hbm>>) target_semaphore(%arg6 : memref<!tpu.dma_semaphore, #tpu.memory_space<semaphore_mem>>)
    %dma_start3A_432 = arith.constant 6 : i32
    %dma_start3A_433 = arith.constant 0 : i32
    %dma_start3A_434 = tpu.memref_slice %arg3[%dma_start3A_432, %min3A_381, %dma_start3A_433] : memref<8x100000x32xf32, #tpu.memory_space<hbm>> -> memref<1x784x32xf32, #tpu.memory_space<hbm>>
    %dma_start3A_435 = tpu.memref_squeeze %dma_start3A_434 : memref<1x784x32xf32, #tpu.memory_space<hbm>> -> memref<784x32xf32, #tpu.memory_space<hbm>>
    %dma_start3A_436 = arith.constant 0 : i32
    %dma_start3A_437 = tpu.memref_slice %arg3[%dma_start3A_432, %min3A_381, %dma_start3A_436] : memref<8x100000x32xf32, #tpu.memory_space<hbm>> -> memref<1x784x32xf32, #tpu.memory_space<hbm>>
    %dma_start3A_438 = tpu.memref_squeeze %dma_start3A_437 : memref<1x784x32xf32, #tpu.memory_space<hbm>> -> memref<784x32xf32, #tpu.memory_space<hbm>>
    tpu.enqueue_dma source(%arg4 : memref<784x32xf32, #tpu.memory_space<vmem>>) target(%dma_start3A_438 : memref<784x32xf32, #tpu.memory_space<hbm>>) target_semaphore(%arg6 : memref<!tpu.dma_semaphore, #tpu.memory_space<semaphore_mem>>)
    %dma_start3A_439 = arith.constant 7 : i32
    %dma_start3A_440 = arith.constant 0 : i32
    %dma_start3A_441 = tpu.memref_slice %arg3[%dma_start3A_439, %min3A_381, %dma_start3A_440] : memref<8x100000x32xf32, #tpu.memory_space<hbm>> -> memref<1x784x32xf32, #tpu.memory_space<hbm>>
    %dma_start3A_442 = tpu.memref_squeeze %dma_start3A_441 : memref<1x784x32xf32, #tpu.memory_space<hbm>> -> memref<784x32xf32, #tpu.memory_space<hbm>>
    %dma_start3A_443 = arith.constant 0 : i32
    %dma_start3A_444 = tpu.memref_slice %arg3[%dma_start3A_439, %min3A_381, %dma_start3A_443] : memref<8x100000x32xf32, #tpu.memory_space<hbm>> -> memref<1x784x32xf32, #tpu.memory_space<hbm>>
    %dma_start3A_445 = tpu.memref_squeeze %dma_start3A_444 : memref<1x784x32xf32, #tpu.memory_space<hbm>> -> memref<784x32xf32, #tpu.memory_space<hbm>>
    tpu.enqueue_dma source(%arg4 : memref<784x32xf32, #tpu.memory_space<vmem>>) target(%dma_start3A_445 : memref<784x32xf32, #tpu.memory_space<hbm>>) target_semaphore(%arg6 : memref<!tpu.dma_semaphore, #tpu.memory_space<semaphore_mem>>)
    %dma_wait3A_446 = arith.constant 0 : i32
    %dma_wait3A_447 = arith.constant 0 : i32
    %dma_wait3A_448 = tpu.memref_slice %arg3[%dma_wait3A_446, %min3A_381, %dma_wait3A_447] : memref<8x100000x32xf32, #tpu.memory_space<hbm>> -> memref<1x784x32xf32, #tpu.memory_space<hbm>>
    %dma_wait3A_449 = tpu.memref_squeeze %dma_wait3A_448 : memref<1x784x32xf32, #tpu.memory_space<hbm>> -> memref<784x32xf32, #tpu.memory_space<hbm>>
    %dma_wait3A_450 = arith.constant 0 : i32
    %dma_wait3A_451 = tpu.memref_slice %arg3[%dma_wait3A_446, %min3A_381, %dma_wait3A_450] : memref<8x100000x32xf32, #tpu.memory_space<hbm>> -> memref<1x784x32xf32, #tpu.memory_space<hbm>>
    %dma_wait3A_452 = tpu.memref_squeeze %dma_wait3A_451 : memref<1x784x32xf32, #tpu.memory_space<hbm>> -> memref<784x32xf32, #tpu.memory_space<hbm>>
    tpu.wait_dma2 semaphore(%arg6 : memref<!tpu.dma_semaphore, #tpu.memory_space<semaphore_mem>>) src(%arg4 : memref<784x32xf32, #tpu.memory_space<vmem>>) dst(%dma_wait3A_452 : memref<784x32xf32, #tpu.memory_space<hbm>>)
    %dma_wait3A_453 = arith.constant 1 : i32
    %dma_wait3A_454 = arith.constant 0 : i32
    %dma_wait3A_455 = tpu.memref_slice %arg3[%dma_wait3A_453, %min3A_381, %dma_wait3A_454] : memref<8x100000x32xf32, #tpu.memory_space<hbm>> -> memref<1x784x32xf32, #tpu.memory_space<hbm>>
    %dma_wait3A_456 = tpu.memref_squeeze %dma_wait3A_455 : memref<1x784x32xf32, #tpu.memory_space<hbm>> -> memref<784x32xf32, #tpu.memory_space<hbm>>
    %dma_wait3A_457 = arith.constant 0 : i32
    %dma_wait3A_458 = tpu.memref_slice %arg3[%dma_wait3A_453, %min3A_381, %dma_wait3A_457] : memref<8x100000x32xf32, #tpu.memory_space<hbm>> -> memref<1x784x32xf32, #tpu.memory_space<hbm>>
    %dma_wait3A_459 = tpu.memref_squeeze %dma_wait3A_458 : memref<1x784x32xf32, #tpu.memory_space<hbm>> -> memref<784x32xf32, #tpu.memory_space<hbm>>
    tpu.wait_dma2 semaphore(%arg6 : memref<!tpu.dma_semaphore, #tpu.memory_space<semaphore_mem>>) src(%arg4 : memref<784x32xf32, #tpu.memory_space<vmem>>) dst(%dma_wait3A_459 : memref<784x32xf32, #tpu.memory_space<hbm>>)
    %dma_wait3A_460 = arith.constant 2 : i32
    %dma_wait3A_461 = arith.constant 0 : i32
    %dma_wait3A_462 = tpu.memref_slice %arg3[%dma_wait3A_460, %min3A_381, %dma_wait3A_461] : memref<8x100000x32xf32, #tpu.memory_space<hbm>> -> memref<1x784x32xf32, #tpu.memory_space<hbm>>
    %dma_wait3A_463 = tpu.memref_squeeze %dma_wait3A_462 : memref<1x784x32xf32, #tpu.memory_space<hbm>> -> memref<784x32xf32, #tpu.memory_space<hbm>>
    %dma_wait3A_464 = arith.constant 0 : i32
    %dma_wait3A_465 = tpu.memref_slice %arg3[%dma_wait3A_460, %min3A_381, %dma_wait3A_464] : memref<8x100000x32xf32, #tpu.memory_space<hbm>> -> memref<1x784x32xf32, #tpu.memory_space<hbm>>
    %dma_wait3A_466 = tpu.memref_squeeze %dma_wait3A_465 : memref<1x784x32xf32, #tpu.memory_space<hbm>> -> memref<784x32xf32, #tpu.memory_space<hbm>>
    tpu.wait_dma2 semaphore(%arg6 : memref<!tpu.dma_semaphore, #tpu.memory_space<semaphore_mem>>) src(%arg4 : memref<784x32xf32, #tpu.memory_space<vmem>>) dst(%dma_wait3A_466 : memref<784x32xf32, #tpu.memory_space<hbm>>)
    %dma_wait3A_467 = arith.constant 3 : i32
    %dma_wait3A_468 = arith.constant 0 : i32
    %dma_wait3A_469 = tpu.memref_slice %arg3[%dma_wait3A_467, %min3A_381, %dma_wait3A_468] : memref<8x100000x32xf32, #tpu.memory_space<hbm>> -> memref<1x784x32xf32, #tpu.memory_space<hbm>>
    %dma_wait3A_470 = tpu.memref_squeeze %dma_wait3A_469 : memref<1x784x32xf32, #tpu.memory_space<hbm>> -> memref<784x32xf32, #tpu.memory_space<hbm>>
    %dma_wait3A_471 = arith.constant 0 : i32
    %dma_wait3A_472 = tpu.memref_slice %arg3[%dma_wait3A_467, %min3A_381, %dma_wait3A_471] : memref<8x100000x32xf32, #tpu.memory_space<hbm>> -> memref<1x784x32xf32, #tpu.memory_space<hbm>>
    %dma_wait3A_473 = tpu.memref_squeeze %dma_wait3A_472 : memref<1x784x32xf32, #tpu.memory_space<hbm>> -> memref<784x32xf32, #tpu.memory_space<hbm>>
    tpu.wait_dma2 semaphore(%arg6 : memref<!tpu.dma_semaphore, #tpu.memory_space<semaphore_mem>>) src(%arg4 : memref<784x32xf32, #tpu.memory_space<vmem>>) dst(%dma_wait3A_473 : memref<784x32xf32, #tpu.memory_space<hbm>>)
    %dma_wait3A_474 = arith.constant 4 : i32
    %dma_wait3A_475 = arith.constant 0 : i32
    %dma_wait3A_476 = tpu.memref_slice %arg3[%dma_wait3A_474, %min3A_381, %dma_wait3A_475] : memref<8x100000x32xf32, #tpu.memory_space<hbm>> -> memref<1x784x32xf32, #tpu.memory_space<hbm>>
    %dma_wait3A_477 = tpu.memref_squeeze %dma_wait3A_476 : memref<1x784x32xf32, #tpu.memory_space<hbm>> -> memref<784x32xf32, #tpu.memory_space<hbm>>
    %dma_wait3A_478 = arith.constant 0 : i32
    %dma_wait3A_479 = tpu.memref_slice %arg3[%dma_wait3A_474, %min3A_381, %dma_wait3A_478] : memref<8x100000x32xf32, #tpu.memory_space<hbm>> -> memref<1x784x32xf32, #tpu.memory_space<hbm>>
    %dma_wait3A_480 = tpu.memref_squeeze %dma_wait3A_479 : memref<1x784x32xf32, #tpu.memory_space<hbm>> -> memref<784x32xf32, #tpu.memory_space<hbm>>
    tpu.wait_dma2 semaphore(%arg6 : memref<!tpu.dma_semaphore, #tpu.memory_space<semaphore_mem>>) src(%arg4 : memref<784x32xf32, #tpu.memory_space<vmem>>) dst(%dma_wait3A_480 : memref<784x32xf32, #tpu.memory_space<hbm>>)
    %dma_wait3A_481 = arith.constant 5 : i32
    %dma_wait3A_482 = arith.constant 0 : i32
    %dma_wait3A_483 = tpu.memref_slice %arg3[%dma_wait3A_481, %min3A_381, %dma_wait3A_482] : memref<8x100000x32xf32, #tpu.memory_space<hbm>> -> memref<1x784x32xf32, #tpu.memory_space<hbm>>
    %dma_wait3A_484 = tpu.memref_squeeze %dma_wait3A_483 : memref<1x784x32xf32, #tpu.memory_space<hbm>> -> memref<784x32xf32, #tpu.memory_space<hbm>>
    %dma_wait3A_485 = arith.constant 0 : i32
    %dma_wait3A_486 = tpu.memref_slice %arg3[%dma_wait3A_481, %min3A_381, %dma_wait3A_485] : memref<8x100000x32xf32, #tpu.memory_space<hbm>> -> memref<1x784x32xf32, #tpu.memory_space<hbm>>
    %dma_wait3A_487 = tpu.memref_squeeze %dma_wait3A_486 : memref<1x784x32xf32, #tpu.memory_space<hbm>> -> memref<784x32xf32, #tpu.memory_space<hbm>>
    tpu.wait_dma2 semaphore(%arg6 : memref<!tpu.dma_semaphore, #tpu.memory_space<semaphore_mem>>) src(%arg4 : memref<784x32xf32, #tpu.memory_space<vmem>>) dst(%dma_wait3A_487 : memref<784x32xf32, #tpu.memory_space<hbm>>)
    %dma_wait3A_488 = arith.constant 6 : i32
    %dma_wait3A_489 = arith.constant 0 : i32
    %dma_wait3A_490 = tpu.memref_slice %arg3[%dma_wait3A_488, %min3A_381, %dma_wait3A_489] : memref<8x100000x32xf32, #tpu.memory_space<hbm>> -> memref<1x784x32xf32, #tpu.memory_space<hbm>>
    %dma_wait3A_491 = tpu.memref_squeeze %dma_wait3A_490 : memref<1x784x32xf32, #tpu.memory_space<hbm>> -> memref<784x32xf32, #tpu.memory_space<hbm>>
    %dma_wait3A_492 = arith.constant 0 : i32
    %dma_wait3A_493 = tpu.memref_slice %arg3[%dma_wait3A_488, %min3A_381, %dma_wait3A_492] : memref<8x100000x32xf32, #tpu.memory_space<hbm>> -> memref<1x784x32xf32, #tpu.memory_space<hbm>>
    %dma_wait3A_494 = tpu.memref_squeeze %dma_wait3A_493 : memref<1x784x32xf32, #tpu.memory_space<hbm>> -> memref<784x32xf32, #tpu.memory_space<hbm>>
    tpu.wait_dma2 semaphore(%arg6 : memref<!tpu.dma_semaphore, #tpu.memory_space<semaphore_mem>>) src(%arg4 : memref<784x32xf32, #tpu.memory_space<vmem>>) dst(%dma_wait3A_494 : memref<784x32xf32, #tpu.memory_space<hbm>>)
    %dma_wait3A_495 = arith.constant 7 : i32
    %dma_wait3A_496 = arith.constant 0 : i32
    %dma_wait3A_497 = tpu.memref_slice %arg3[%dma_wait3A_495, %min3A_381, %dma_wait3A_496] : memref<8x100000x32xf32, #tpu.memory_space<hbm>> -> memref<1x784x32xf32, #tpu.memory_space<hbm>>
    %dma_wait3A_498 = tpu.memref_squeeze %dma_wait3A_497 : memref<1x784x32xf32, #tpu.memory_space<hbm>> -> memref<784x32xf32, #tpu.memory_space<hbm>>
    %dma_wait3A_499 = arith.constant 0 : i32
    %dma_wait3A_500 = tpu.memref_slice %arg3[%dma_wait3A_495, %min3A_381, %dma_wait3A_499] : memref<8x100000x32xf32, #tpu.memory_space<hbm>> -> memref<1x784x32xf32, #tpu.memory_space<hbm>>
    %dma_wait3A_501 = tpu.memref_squeeze %dma_wait3A_500 : memref<1x784x32xf32, #tpu.memory_space<hbm>> -> memref<784x32xf32, #tpu.memory_space<hbm>>
    tpu.wait_dma2 semaphore(%arg6 : memref<!tpu.dma_semaphore, #tpu.memory_space<semaphore_mem>>) src(%arg4 : memref<784x32xf32, #tpu.memory_space<vmem>>) dst(%dma_wait3A_501 : memref<784x32xf32, #tpu.memory_space<hbm>>)
    return
  }
}

</mosaic_0001>

<sc_bundles>
// kernel: kernel.3.cloned.1.call-start
scs
__scs_entry_jumppad:
0x0: {  	(pc) =	sbr.rel $0x88, $3  }
0x1: {  	(tag) =	ssettag $0x0;
	lr =	simm.s32 $0x1  }
0x2: {  	[smem:$0x3FA0] =	sst lr;
	_ =	strace $0xD0000000  }
0x3: {  	_ = 	snop  }
0x4: {  	_ = 	snop  }
0x5: {  	_ = 	snop  }
0x6: {  	_ = 	snop  }
0x7: {  	_ = 	snop  }
__scs_overlays_trampoline_lowered:
0x8: {  	[smem:$0x3FAF] =	sst s0  }
0x9: {  	[smem:$0x3FB0] =	sst s1  }
0xa: {  	[smem:$0x3FB1] =	sst s2  }
0xb: {  	[smem:$0x3FB2] =	sst s3  }
0xc: {  	[smem:$0x3FB3] =	sst s4  }
0xd: {  	[smem:$0x3FB4] =	sst s5  }
0xe: {  	[smem:$0x3FB5] =	sst s6  }
0xf: {  	[smem:$0x3FB6] =	sst s7  }
0x10: {  	[smem:$0x3FB7] =	sst s8  }
0x11: {  	[smem:$0x3FB8] =	sst s9;
	s0 =	simm.s32 @!p0 $0x0  }
0x12: {  	s1 =	sld [smem:$0x3F9E];
	s0 =	simm.s32 @p0 $0x1  }
0x13: {  	[smem:$0x3FB9] =	sst s0;
	s0 =	simm.s32 @!p1 $0x0  }
0x14: {  	s2 =	sld [smem:$0x3F9D];
	s0 =	simm.s32 @p1 $0x1  }
0x15: {  	[smem:$0x3FBA] =	sst s0;
	s0 =	simm.s32 @!p2 $0x0  }
0x16: {  	s3 =	sld [smem:$0x3FDB];
	s0 =	simm.s32 @p2 $0x1  }
0x17: {  	s4 =	simm.s32 $0x1BF5;
	[smem:$0x3FBC] =	sst s0  }
0x18: {  	s0 =	sld [smem:$0x3F9F];
	_ =	swait.ge [sflag:s4], $0x0  }
0x19: {  	s7 =	sld [smem:$0x3FA0]  }
0x1a: {  	s8 =	sadd.s32 $0xFFFFE003, lr  }
0x1b: {  	s9 =	sadd.s32 $0xFFFFFEF7, lr;
	s5 =	simm.s32 $0xFFFFFFFF;
	p2 =	slt.u32 s8, $0xFFFFF086  }
0x1c: {  	p1 =	slt.u32 s9, $0xF7A;
	s5 =	simm.s32 @!p2 $0x0  }
0x1d: {  	s5 =	simm.s32 @p1 $0x1;
	p0 =	seq.s32 s7, s2  }
0x1e: {  	s7 =	smul.u32 @!p0 $0xF7A, s2;
	p2 =	seq.s32 @!p0 s5, $0x0  }
0x1f: {  	s9 =	smul.u32 $0xF7A, s1;
	s8 =	simm.s32 @!p0 $0x1BF5;
	p2 =	por !p2, p0  }
0x20: {  	[sflag:s8] =	ssyncset.s32 @!p0 $0xFFFFF086;
	s6 =	sadd.s32 @!p0 s3, s7;
	s7 =	simm.s32 @!p0 $0x108  }
0x21: {  	s3 =	sadd.s32 s3, s9;
	s6 =	sadd.s32 @!p0 $0x88, s6;
	s7 =	simm.s32 @p2 $0x1082  }
0x22: {  	[simem:s7], [sflag:s8] =	dma.local @!p0 [hbm:s6], $0xF7A  }
0x23: {  	s9 =	sor.u32 $0xD0000000, s2;
	s6 =	simm.s32 $0x108;
	_ =	swait.ge @!p0 [sflag:s8], $0x0  }
0x24: {  	s3 =	sadd.s32 $0x88, s3;
	s6 =	simm.s32 @!p1 $0x1082;
	[sflag:s4] =	ssyncset.s32 $0xFFFFF086  }
0x25: {  	[simem:s6], [sflag:s4] =	dma.local [hbm:s3], $0xF7A  }
0x26: {  	[smem:$0x3FA0] =	sst s1;
	(tag) =	ssettag s2;
	_ =	strace s9  }
0x27: {  	s1 =	sld [smem:$0x3FB0]  }
0x28: {  	s2 =	sld [smem:$0x3FB1]  }
0x29: {  	s4 =	sld [smem:$0x3FB3]  }
0x2a: {  	p0 =	seq.s32 s5, $0x0;
	s5 =	sld [smem:$0x3FB4]  }
0x2b: {  	s6 =	sld [smem:$0x3FB5]  }
0x2c: {  	s7 =	sld [smem:$0x3FB6]  }
0x2d: {  	s3 =	simm.s32 $0x108;
	s8 =	sld [smem:$0x3FB7]  }
0x2e: {  	s3 =	simm.s32 @!p0 $0x1082;
	s9 =	sld [smem:$0x3FB8]  }
0x2f: {  	lr =	sadd.s32 s0, s3;
	s0 =	sld [smem:$0x3FAF]  }
0x30: {  	s3 =	sld [smem:$0x3FB2]  }
0x31: {  	[smem:$0x3FBB] =	sst s10  }
0x32: {  	s10 =	sld [smem:$0x3FB9];
	_ =	sdelay $0x3  }
0x33: {  	p0 =	seq.s32 s10, $0x1;
	s10 =	sld [smem:$0x3FBB];
	_ =	sdelay $0x3  }
0x34: {  	[smem:$0x3FBB] =	sst s10  }
0x35: {  	s10 =	sld [smem:$0x3FBA];
	_ =	sdelay $0x3  }
0x36: {  	p1 =	seq.s32 s10, $0x1;
	s10 =	sld [smem:$0x3FBB];
	_ =	sdelay $0x3  }
0x37: {  	[smem:$0x3FBB] =	sst s10  }
0x38: {  	s10 =	sld [smem:$0x3FBC]  }
0x39: {  	_ = 	snop;
	(pc) =	sbr.ind lr, $3  }
0x3a: {  	_ = 	snop  }
0x3b: {  	_ = 	snop  }
0x3c: {  	p2 =	seq.s32 s10, $0x1;
	s10 =	sld [smem:$0x3FBB]  }
0x3d: {  	_ =	shalt  }
0x3e: {  	_ =	shalt  }
0x3f: {  	_ =	shalt  }
0x40: {  	_ =	shalt  }
0x41: {  	_ =	shalt  }
0x42: {  	_ =	shalt  }
0x43: {  	_ =	shalt  }
0x44: {  	_ =	shalt  }
0x45: {  	_ =	shalt  }
0x46: {  	_ =	shalt  }
0x47: {  	_ =	shalt  }
0x48: {  	_ =	shalt  }
0x49: {  	_ =	shalt  }
0x4a: {  	_ =	shalt  }
0x4b: {  	_ =	shalt  }
0x4c: {  	_ =	shalt  }
0x4d: {  	_ =	shalt  }
0x4e: {  	_ =	shalt  }
0x4f: {  	_ =	shalt  }
0x50: {  	_ =	shalt  }
0x51: {  	_ =	shalt  }
0x52: {  	_ =	shalt  }
0x53: {  	_ =	shalt  }
0x54: {  	_ =	shalt  }
0x55: {  	_ =	shalt  }
0x56: {  	_ =	shalt  }
0x57: {  	_ =	shalt  }
0x58: {  	_ =	shalt  }
0x59: {  	_ =	shalt  }
0x5a: {  	_ =	shalt  }
0x5b: {  	_ =	shalt  }
0x5c: {  	_ =	shalt  }
0x5d: {  	_ =	shalt  }
0x5e: {  	_ =	shalt  }
0x5f: {  	_ =	shalt  }
0x60: {  	_ =	shalt  }
0x61: {  	_ =	shalt  }
0x62: {  	_ =	shalt  }
0x63: {  	_ =	shalt  }
0x64: {  	_ =	shalt  }
0x65: {  	_ =	shalt  }
0x66: {  	_ =	shalt  }
0x67: {  	_ =	shalt  }
0x68: {  	_ =	shalt  }
0x69: {  	_ =	shalt  }
0x6a: {  	_ =	shalt  }
0x6b: {  	_ =	shalt  }
0x6c: {  	_ =	shalt  }
0x6d: {  	_ =	shalt  }
0x6e: {  	_ =	shalt  }
0x6f: {  	_ =	shalt  }
0x70: {  	_ =	shalt  }
0x71: {  	_ =	shalt  }
0x72: {  	_ =	shalt  }
0x73: {  	_ =	shalt  }
0x74: {  	_ =	shalt  }
0x75: {  	_ =	shalt  }
0x76: {  	_ =	shalt  }
0x77: {  	_ =	shalt  }
0x78: {  	_ =	shalt  }
0x79: {  	_ =	shalt  }
0x7a: {  	_ =	shalt  }
0x7b: {  	_ =	shalt  }
0x7c: {  	_ =	shalt  }
0x7d: {  	_ =	shalt  }
0x7e: {  	_ =	shalt  }
0x7f: {  	_ =	shalt  }
0x80: {  	_ =	shalt  }
0x81: {  	_ =	shalt  }
0x82: {  	_ =	shalt  }
0x83: {  	_ =	shalt  }
0x84: {  	_ =	shalt  }
0x85: {  	_ =	shalt  }
0x86: {  	_ =	shalt  }
0x87: {  	_ =	shalt  }
.Lfunc_end0:
.L_simem_size_0:
called_computation_lowered:
.L_overlay_start_0:
0x88: {  	s2 =	sld [smem:$0x3FD9]  }
0x89: {  	s3 =	sld [smem:$0x3FFE];
	_ =	sdelay $0x1  }
0x8a: {  	s1 =	srdreg.scid  }
0x8b: {  	s0 =	sand.u32 $0x1, s1  }
0x8c: {  	s17 =	sshll.u32 s0, $0xA;
	s2 =	sadd.s32 s3, s2  }
0x8d: {  	s2 =	sadd.s32 s2, s17  }
0x8e: {  	[smem:$0x3FC7] =	sst s2  }
0x8f: {  	_ = 	snop  }
0x90: {  	s2 =	sld [smem:$0x3FD0];
	(tm) =	ssettm $0x1  }
0x91: {  	s18 =	sld [smem:$0x3FFB];
	_ =	sdelay $0x3  }
0x92: {  	_ =	strace s18  }
0x93: {  	s3 =	sld [smem:$0x3FFC];
	_ =	sdelay $0x3  }
0x94: {  	_ =	strace s3  }
0x95: {  	s3 =	sld [smem:$0x3FFD];
	_ =	sdelay $0x3  }
0x96: {  	_ =	strace s3  }
0x97: {  	_ =	strace $0x8FFFFFFF  }
0x98: {  	s19 =	sld [smem:$0x3FDB];
	_ =	sdelay $0x1  }
0x99: {  	s4 =	simm.s32 $_scs_section_size  }
0x9a: {  	s5 =	simm.s32 $_size__tile_overlayer_lowered;
	s6 =	simm.s32 $_tile_overlayer_lowered  }
0x9b: {  	s22 =	simm.s32 $0x1BFF;
	s21 =	sshll.u32 s6, $0x1;
	s3 =	sadd.s32 s4, s19  }
0x9c: {  	s7 =	simm.s32 $0x0;
	s20 =	sshll.u32 s5, $0x1;
	s5 =	sadd.s32 s21, s3  }
0x9d: {  	[timem:s7], [sflag:s22] =	dma.local [hbm:s5], s20  }
0x9e: {  	_ =	swait.ge [sflag:s22], s20  }
0x9f: {  	s4 =	ssub.s32 $0x0, s20;
	[sflag:s22] =	ssyncset.done $0x0  }
0xa0: {  	[sflag:s22] =	ssyncadd.s32 s4;
	_ =	sdelay $0x1  }
0xa1: {  	s23 =	simm.s32 $0x1B8B  }
0xa2: {  	_ =	swait.ge [sflag:s23], $0x1  }
0xa3: {  	[sflag:s23] =	ssyncset.done $0x0  }
0xa4: {  	s25 =	simm.s32 $0x1B8E;
	s24 =	sld [smem:$0x3FFE];
	[sflag:s23] =	ssyncadd.s32 $0xFFFFFFFF  }
0xa5: {  	s26 =	simm.s32 $execute0_lowered;
	[smem:$0x3FD2] =	sst s25  }
0xa6: {  	s5 =	sshll.u32 s26, $0x1;
	_ =	strace $0x80000046;
	[dreg:$0x1] =	wrdreg $0xFFFFFFFF  }
0xa7: {  	s28 =	simm.s32 $_size_execute0_lowered;
	s3 =	sadd.s32 s3, s5;
	[dreg:$0x0] =	wrdreg $0x0  }
0xa8: {  	s5 =	sshll.u32 s28, $0x1;
	[dreg:$0x2] =	wrdreg s3  }
0xa9: {  	[dreg:$0x3] =	wrdreg s5  }
0xaa: {  	[dreg:$0x4] =	wrdreg $0xC0  }
0xab: {  	_ =	task [dreg:s7], $0x5FFFF  }
0xac: {  	[dreg:$0x1] =	wrdreg $0xFFFFFFFF  }
0xad: {  	[dreg:$0x0] =	wrdreg $0x60  }
0xae: {  	[dreg:$0x2] =	wrdreg s2  }
0xaf: {  	[dreg:$0x3] =	wrdreg s24  }
0xb0: {  	[dreg:$0x4] =	wrdreg $0x9  }
0xb1: {  	_ =	task.clear_ibuf [dreg:s7], $0x5FFFF;
	_ =	strace $0x90000046  }
0xb2: {  	s29 =	simm.s32 $0x9;
	_ =	strace $0x80000048  }
0xb3: {  	_ =	swait.ge [sflag:s29], $0x1  }
0xb4: {  	[sflag:s29] =	ssyncadd.s32 $0xFFFFFFFF  }
0xb5: {  	_ =	strace $0x90000048  }
0xb6: {  	_ =	sfence  }
0xb7: {  	s30 =	sld [smem:$0x0];
	_ =	sdelay $0x2  }
0xb8: {  	s31 =	sshll.u32 s1, $0xD;
	s1 =	sshrl.u32 s1, $0x2  }
0xb9: {  	s3 =	sand.u32 $0x4000, s31;
	s1 =	sadd.s32 s1, s30  }
0xba: {  	s0 =	sor.u32 s3, s0;
	s1 =	sshll.u32 s1, $0x11  }
0xbb: {  	s0 =	sor.u32 s1, s0  }
0xbc: {  	s0 =	sadd.s32 $0x8F2B, s0  }
0xbd: {  	[sflag:s0] =	ssyncadd.remote.s32 $0x1  }
0xbe: {  	_ =	sfence.sel $0xFFFF  }
0xbf: {  	[dreg:$0x0] =	wrdreg $0xFFFFFFFF;
	(pc) =	sbr.abs _section_cstart, $3  }
0xc0: {  	[dreg:$0x1] =	wrdreg $0xFFFFFFFF  }
0xc1: {  	_ =	task.clear_ibuf [dreg:s7], $0x2FFFF;
	_ =	strace $0x9FFFFFFF  }
0xc2: {  	(tm) =	ssettm $0x7FFFFFFF  }
0xc3: {  	_ =	shalt  }
tec
execute0_lowered:
.L_overlay_start_1:
0x0: {  	(tag) =	ssettag $0x1  }
0x1: {  	s0 =	srdreg.scid;
	s2 =	stileid.u32  }
0x2: {  	s1 =	rddreg [dreg:$0x0];
	s0 =	sand.u32 $0x1, s0;
	s2 =	sshll.u32 s2, $0x1  }
0x3: {  	s3 =	rddreg [dreg:$0x1];
	s4 =	sor.u32 s0, s2  }
0x4: {  	p0 =	por $0x0, $0x0;
	s3 =	sadd.s32 $0x400, s3;
	s5 =	smul.u32 $0x62000, s4  }
0x5: {  	s2 =	simm.s32 $0x0;
	s0 =	ssub.s32 $0x2, s0;
	s6 =	smul.u32 $0xC400, s4  }
0x6: {  	[smem:$0x7FF] =	sst s2;
	s14 =	sshrl.u32 s0, $0x1;
	s4 =	smul.u32 $0xC40, s4  }
0x7: {  	_ =	strace $0x80000047;
	s0 =	ssub.s32 s0, s14;
	s7 =	sadd.s32 s1, s6  }
0x8: {  	s5 =	sshrl.u32 s5, $0x3;
	s6 =	sadd.s32 s3, s6;
	s19 =	sshll.u32 s4, $0x4  }
0x9: {  	s4 =	smin.u32 s4, $0x17A60;
	s0 =	smax.u32 s0, $0x1;
	[dreg:$0x3] =	wrdreg s7  }
0xa: {  	s5 =	sadd.s32 s3, s5;
	[dreg:$0x4] =	wrdreg s6;
	s8 =	sadd.s32 $0x3100, s19  }
0xb: {  	s22 =	sadd.s32 $0x6200, s19;
	s4 =	sshll.u32 s4, $0x4;
	s13 =	sadd.s32 $0x186A00, s5  }
0xc: {  	p1 =	sne.s32 s0, $0x1;
	s15 =	sadd.s32 $0x30D400, s5;
	[dreg:$0x5] =	wrdreg s13  }
0xd: {  	s16 =	sadd.s32 $0x493E00, s5;
	s17 =	sadd.s32 $0x61A800, s5;
	[dreg:$0x6] =	wrdreg s15  }
0xe: {  	s18 =	sadd.s32 $0x7A1200, s5;
	s20 =	sadd.s32 $0x927C00, s5;
	[dreg:$0x7] =	wrdreg s16  }
0xf: {  	s5 =	sadd.s32 $0xAAE600, s5;
	s23 =	sadd.s32 s3, s8;
	[dreg:$0x8] =	wrdreg s17  }
0x10: {  	s21 =	sadd.s32 s1, s8;
	s14 =	sadd.s32 s3, s22;
	[dreg:$0x9] =	wrdreg s18  }
0x11: {  	s4 =	sadd.s32 $0x9300, s4;
	[dreg:$0xa] =	wrdreg s20;
	s24 =	sadd.s32 $0x493E00, s23  }
0x12: {  	[dreg:$0xb] =	wrdreg s5;
	s26 =	sadd.s32 $0x7A1200, s23;
	s28 =	sadd.s32 $0x927C00, s23  }
0x13: {  	[dreg:$0xc] =	wrdreg s21;
	s30 =	sadd.s32 $0x186A00, s23;
	s29 =	sadd.s32 $0xAAE600, s23  }
0x14: {  	s15 =	sadd.s32 $0x186A00, s14;
	s31 =	sadd.s32 $0x30D400, s23;
	s16 =	sadd.s32 $0x30D400, s14  }
0x15: {  	s25 =	sadd.s32 $0x61A800, s23;
	s17 =	sadd.s32 $0x493E00, s14;
	s18 =	sadd.s32 $0x61A800, s14  }
0x16: {  	s21 =	sadd.s32 s1, s22;
	s19 =	sadd.s32 $0x7A1200, s14;
	s20 =	sadd.s32 $0x927C00, s14  }
.Ltmp0:
0x17: {  	s9 =	sadd.s32 s1, s4;
	s4 =	sadd.s32 s3, s4;
	(pc) =	sbr.rel @!p1 .LBB2_3-.Ltmp0, $4  }
0x18: {  	s1 =	sadd.s32 $0xFFFFFFFF, s0;
	s22 =	sadd.s32 $0xAAE600, s14;
	s5 =	sadd.s32 $0x186A00, s4  }
0x19: {  	s13 =	simm.s32 $0x1;
	s6 =	sadd.s32 $0x30D400, s4;
	s7 =	sadd.s32 $0x493E00, s4  }
0x1a: {  	s3 =	simm.s32 $0x2;
	s8 =	sadd.s32 $0x61A800, s4;
	s10 =	sadd.s32 $0x7A1200, s4  }
0x1b: {  	s0 =	rddreg [dreg:$0x3];
	s11 =	sadd.s32 $0x927C00, s4;
	s12 =	sadd.s32 $0xAAE600, s4  }
0x1c: {  	[tilespmem:s2], [sflag:$0x1] =	stream.linear.gather [hbm4b:s0+s2], $0x18800, $0x38;
	[tilespmem:$0x18800] =	vst v63  }
0x1d: {  	_ =	swait.ge [sflag:s13], $0x18800  }
0x1e: {  	[dreg:$0xd] =	wrdreg s1;
	[sflag:s13] =	ssyncset.done $0x0  }
0x1f: {  	s0 =	rddreg [dreg:$0x4];
	[sflag:s13] =	ssyncadd.s32 $0xFFFE7800  }
0x20: {  	[hbm4b:s0+s2] =	stream.linear.scatter [tilespmem:s2], [sflag:$0x2], $0x18800, $0x38;
	[tilespmem:$0x18800] =	vst v63  }
0x21: {  	s1 =	rddreg [dreg:$0x5]  }
0x22: {  	[hbm4b:s1+s2] =	stream.linear.scatter [tilespmem:s2], [sflag:$0x2], $0x18800, $0x38;
	[tilespmem:$0x18800] =	vst v63  }
0x23: {  	s0 =	rddreg [dreg:$0x6]  }
0x24: {  	[hbm4b:s0+s2] =	stream.linear.scatter [tilespmem:s2], [sflag:$0x2], $0x18800, $0x38;
	[tilespmem:$0x18800] =	vst v63  }
0x25: {  	s1 =	rddreg [dreg:$0x7]  }
0x26: {  	[hbm4b:s1+s2] =	stream.linear.scatter [tilespmem:s2], [sflag:$0x2], $0x18800, $0x38;
	[tilespmem:$0x18800] =	vst v63  }
0x27: {  	s0 =	rddreg [dreg:$0x8]  }
0x28: {  	[hbm4b:s0+s2] =	stream.linear.scatter [tilespmem:s2], [sflag:$0x2], $0x18800, $0x38;
	[tilespmem:$0x18800] =	vst v63  }
0x29: {  	s1 =	rddreg [dreg:$0x9]  }
0x2a: {  	[hbm4b:s1+s2] =	stream.linear.scatter [tilespmem:s2], [sflag:$0x2], $0x18800, $0x38;
	[tilespmem:$0x18800] =	vst v63  }
0x2b: {  	s0 =	rddreg [dreg:$0xa]  }
0x2c: {  	[hbm4b:s0+s2] =	stream.linear.scatter [tilespmem:s2], [sflag:$0x2], $0x18800, $0x38;
	[tilespmem:$0x18800] =	vst v63  }
0x2d: {  	s1 =	rddreg [dreg:$0xb]  }
0x2e: {  	[hbm4b:s1+s2] =	stream.linear.scatter [tilespmem:s2], [sflag:$0x2], $0x18800, $0x38;
	[tilespmem:$0x18800] =	vst v63  }
0x2f: {  	_ =	swait.ge [sflag:s3], $0x18800  }
0x30: {  	[sflag:s3] =	ssyncset.done $0x0  }
0x31: {  	[sflag:s3] =	ssyncadd.s32 $0xFFFE7800  }
0x32: {  	_ =	swait.ge [sflag:s3], $0x18800  }
0x33: {  	[sflag:s3] =	ssyncset.done $0x0  }
0x34: {  	[sflag:s3] =	ssyncadd.s32 $0xFFFE7800  }
0x35: {  	_ =	swait.ge [sflag:s3], $0x18800  }
0x36: {  	[sflag:s3] =	ssyncset.done $0x0  }
0x37: {  	[sflag:s3] =	ssyncadd.s32 $0xFFFE7800  }
0x38: {  	_ =	swait.ge [sflag:s3], $0x18800  }
0x39: {  	[sflag:s3] =	ssyncset.done $0x0  }
0x3a: {  	[sflag:s3] =	ssyncadd.s32 $0xFFFE7800  }
0x3b: {  	_ =	swait.ge [sflag:s3], $0x18800  }
0x3c: {  	[sflag:s3] =	ssyncset.done $0x0  }
0x3d: {  	[sflag:s3] =	ssyncadd.s32 $0xFFFE7800  }
0x3e: {  	_ =	swait.ge [sflag:s3], $0x18800  }
0x3f: {  	[sflag:s3] =	ssyncset.done $0x0  }
0x40: {  	[sflag:s3] =	ssyncadd.s32 $0xFFFE7800  }
0x41: {  	_ =	swait.ge [sflag:s3], $0x18800  }
0x42: {  	[sflag:s3] =	ssyncset.done $0x0  }
0x43: {  	[sflag:s3] =	ssyncadd.s32 $0xFFFE7800  }
0x44: {  	_ =	swait.ge [sflag:s3], $0x18800  }
0x45: {  	[sflag:s3] =	ssyncset.done $0x0  }
0x46: {  	s1 =	rddreg [dreg:$0xc];
	[sflag:s3] =	ssyncadd.s32 $0xFFFE7800  }
0x47: {  	[tilespmem:s2], [sflag:$0x1] =	stream.linear.gather [hbm4b:s1+s2], $0x18800, $0x38;
	[tilespmem:$0x18800] =	vst v63  }
0x48: {  	_ =	swait.ge [sflag:s13], $0x18800  }
0x49: {  	[sflag:s13] =	ssyncset.done $0x0  }
0x4a: {  	[sflag:s13] =	ssyncadd.s32 $0xFFFE7800  }
0x4b: {  	[hbm4b:s23+s2] =	stream.linear.scatter [tilespmem:s2], [sflag:$0x2], $0x18800, $0x38;
	[tilespmem:$0x18800] =	vst v63  }
0x4c: {  	_ = 	snop  }
0x4d: {  	[hbm4b:s30+s2] =	stream.linear.scatter [tilespmem:s2], [sflag:$0x2], $0x18800, $0x38;
	[tilespmem:$0x18800] =	vst v63  }
0x4e: {  	_ = 	snop  }
0x4f: {  	[hbm4b:s31+s2] =	stream.linear.scatter [tilespmem:s2], [sflag:$0x2], $0x18800, $0x38;
	[tilespmem:$0x18800] =	vst v63  }
0x50: {  	_ = 	snop  }
0x51: {  	[hbm4b:s24+s2] =	stream.linear.scatter [tilespmem:s2], [sflag:$0x2], $0x18800, $0x38;
	[tilespmem:$0x18800] =	vst v63  }
0x52: {  	_ = 	snop  }
0x53: {  	[hbm4b:s25+s2] =	stream.linear.scatter [tilespmem:s2], [sflag:$0x2], $0x18800, $0x38;
	[tilespmem:$0x18800] =	vst v63  }
0x54: {  	_ = 	snop  }
0x55: {  	[hbm4b:s26+s2] =	stream.linear.scatter [tilespmem:s2], [sflag:$0x2], $0x18800, $0x38;
	[tilespmem:$0x18800] =	vst v63  }
0x56: {  	_ = 	snop  }
0x57: {  	[hbm4b:s28+s2] =	stream.linear.scatter [tilespmem:s2], [sflag:$0x2], $0x18800, $0x38;
	[tilespmem:$0x18800] =	vst v63  }
0x58: {  	_ = 	snop  }
0x59: {  	[hbm4b:s29+s2] =	stream.linear.scatter [tilespmem:s2], [sflag:$0x2], $0x18800, $0x38;
	[tilespmem:$0x18800] =	vst v63  }
0x5a: {  	_ =	swait.ge [sflag:s3], $0x18800  }
0x5b: {  	[sflag:s3] =	ssyncset.done $0x0  }
0x5c: {  	[sflag:s3] =	ssyncadd.s32 $0xFFFE7800  }
0x5d: {  	_ =	swait.ge [sflag:s3], $0x18800  }
0x5e: {  	[sflag:s3] =	ssyncset.done $0x0  }
0x5f: {  	[sflag:s3] =	ssyncadd.s32 $0xFFFE7800  }
0x60: {  	_ =	swait.ge [sflag:s3], $0x18800  }
0x61: {  	[sflag:s3] =	ssyncset.done $0x0  }
0x62: {  	[sflag:s3] =	ssyncadd.s32 $0xFFFE7800  }
0x63: {  	_ =	swait.ge [sflag:s3], $0x18800  }
0x64: {  	[sflag:s3] =	ssyncset.done $0x0  }
0x65: {  	[sflag:s3] =	ssyncadd.s32 $0xFFFE7800  }
0x66: {  	_ =	swait.ge [sflag:s3], $0x18800  }
0x67: {  	[sflag:s3] =	ssyncset.done $0x0  }
0x68: {  	[sflag:s3] =	ssyncadd.s32 $0xFFFE7800  }
0x69: {  	_ =	swait.ge [sflag:s3], $0x18800  }
0x6a: {  	[sflag:s3] =	ssyncset.done $0x0  }
0x6b: {  	[sflag:s3] =	ssyncadd.s32 $0xFFFE7800  }
0x6c: {  	_ =	swait.ge [sflag:s3], $0x18800  }
0x6d: {  	[sflag:s3] =	ssyncset.done $0x0  }
0x6e: {  	[sflag:s3] =	ssyncadd.s32 $0xFFFE7800  }
0x6f: {  	_ =	swait.ge [sflag:s3], $0x18800  }
0x70: {  	[sflag:s3] =	ssyncset.done $0x0  }
0x71: {  	[sflag:s3] =	ssyncadd.s32 $0xFFFE7800  }
0x72: {  	[tilespmem:s2], [sflag:$0x1] =	stream.linear.gather [hbm4b:s21+s2], $0x18800, $0x38;
	[tilespmem:$0x18800] =	vst v63  }
0x73: {  	_ =	swait.ge [sflag:s13], $0x18800  }
0x74: {  	[sflag:s13] =	ssyncset.done $0x0  }
0x75: {  	[sflag:s13] =	ssyncadd.s32 $0xFFFE7800  }
0x76: {  	[hbm4b:s14+s2] =	stream.linear.scatter [tilespmem:s2], [sflag:$0x2], $0x18800, $0x38;
	[tilespmem:$0x18800] =	vst v63  }
0x77: {  	_ = 	snop  }
0x78: {  	[hbm4b:s15+s2] =	stream.linear.scatter [tilespmem:s2], [sflag:$0x2], $0x18800, $0x38;
	[tilespmem:$0x18800] =	vst v63  }
0x79: {  	_ = 	snop  }
0x7a: {  	[hbm4b:s16+s2] =	stream.linear.scatter [tilespmem:s2], [sflag:$0x2], $0x18800, $0x38;
	[tilespmem:$0x18800] =	vst v63  }
0x7b: {  	_ = 	snop  }
0x7c: {  	[hbm4b:s17+s2] =	stream.linear.scatter [tilespmem:s2], [sflag:$0x2], $0x18800, $0x38;
	[tilespmem:$0x18800] =	vst v63  }
0x7d: {  	_ = 	snop  }
0x7e: {  	[hbm4b:s18+s2] =	stream.linear.scatter [tilespmem:s2], [sflag:$0x2], $0x18800, $0x38;
	[tilespmem:$0x18800] =	vst v63  }
0x7f: {  	_ = 	snop  }
0x80: {  	[hbm4b:s19+s2] =	stream.linear.scatter [tilespmem:s2], [sflag:$0x2], $0x18800, $0x38;
	[tilespmem:$0x18800] =	vst v63  }
0x81: {  	_ = 	snop  }
0x82: {  	[hbm4b:s20+s2] =	stream.linear.scatter [tilespmem:s2], [sflag:$0x2], $0x18800, $0x38;
	[tilespmem:$0x18800] =	vst v63  }
0x83: {  	_ = 	snop  }
0x84: {  	[hbm4b:s22+s2] =	stream.linear.scatter [tilespmem:s2], [sflag:$0x2], $0x18800, $0x38;
	[tilespmem:$0x18800] =	vst v63  }
0x85: {  	_ =	swait.ge [sflag:s3], $0x18800  }
0x86: {  	[sflag:s3] =	ssyncset.done $0x0  }
0x87: {  	[sflag:s3] =	ssyncadd.s32 $0xFFFE7800  }
0x88: {  	_ =	swait.ge [sflag:s3], $0x18800  }
0x89: {  	[sflag:s3] =	ssyncset.done $0x0  }
0x8a: {  	[sflag:s3] =	ssyncadd.s32 $0xFFFE7800  }
0x8b: {  	_ =	swait.ge [sflag:s3], $0x18800  }
0x8c: {  	[sflag:s3] =	ssyncset.done $0x0  }
0x8d: {  	[sflag:s3] =	ssyncadd.s32 $0xFFFE7800  }
0x8e: {  	_ =	swait.ge [sflag:s3], $0x18800  }
0x8f: {  	[sflag:s3] =	ssyncset.done $0x0  }
0x90: {  	[sflag:s3] =	ssyncadd.s32 $0xFFFE7800  }
0x91: {  	_ =	swait.ge [sflag:s3], $0x18800  }
0x92: {  	[sflag:s3] =	ssyncset.done $0x0  }
0x93: {  	[sflag:s3] =	ssyncadd.s32 $0xFFFE7800  }
0x94: {  	_ =	swait.ge [sflag:s3], $0x18800  }
0x95: {  	[sflag:s3] =	ssyncset.done $0x0  }
0x96: {  	[sflag:s3] =	ssyncadd.s32 $0xFFFE7800  }
0x97: {  	_ =	swait.ge [sflag:s3], $0x18800  }
0x98: {  	[sflag:s3] =	ssyncset.done $0x0  }
0x99: {  	[sflag:s3] =	ssyncadd.s32 $0xFFFE7800  }
0x9a: {  	_ =	swait.ge [sflag:s3], $0x18800  }
0x9b: {  	[sflag:s3] =	ssyncset.done $0x0  }
0x9c: {  	[sflag:s3] =	ssyncadd.s32 $0xFFFE7800  }
0x9d: {  	[tilespmem:s2], [sflag:$0x1] =	stream.linear.gather [hbm4b:s9+s2], $0x18800, $0x38;
	[tilespmem:$0x18800] =	vst v63  }
0x9e: {  	_ =	swait.ge [sflag:s13], $0x18800  }
0x9f: {  	[sflag:s13] =	ssyncset.done $0x0  }
0xa0: {  	[sflag:s13] =	ssyncadd.s32 $0xFFFE7800  }
0xa1: {  	[hbm4b:s4+s2] =	stream.linear.scatter [tilespmem:s2], [sflag:$0x2], $0x18800, $0x38;
	[tilespmem:$0x18800] =	vst v63  }
0xa2: {  	_ = 	snop  }
0xa3: {  	[hbm4b:s5+s2] =	stream.linear.scatter [tilespmem:s2], [sflag:$0x2], $0x18800, $0x38;
	[tilespmem:$0x18800] =	vst v63  }
0xa4: {  	_ = 	snop  }
0xa5: {  	[hbm4b:s6+s2] =	stream.linear.scatter [tilespmem:s2], [sflag:$0x2], $0x18800, $0x38;
	[tilespmem:$0x18800] =	vst v63  }
0xa6: {  	_ = 	snop  }
0xa7: {  	[hbm4b:s7+s2] =	stream.linear.scatter [tilespmem:s2], [sflag:$0x2], $0x18800, $0x38;
	[tilespmem:$0x18800] =	vst v63  }
0xa8: {  	_ = 	snop  }
0xa9: {  	[hbm4b:s8+s2] =	stream.linear.scatter [tilespmem:s2], [sflag:$0x2], $0x18800, $0x38;
	[tilespmem:$0x18800] =	vst v63  }
0xaa: {  	_ = 	snop  }
0xab: {  	[hbm4b:s10+s2] =	stream.linear.scatter [tilespmem:s2], [sflag:$0x2], $0x18800, $0x38;
	[tilespmem:$0x18800] =	vst v63  }
0xac: {  	_ = 	snop  }
0xad: {  	[hbm4b:s11+s2] =	stream.linear.scatter [tilespmem:s2], [sflag:$0x2], $0x18800, $0x38;
	[tilespmem:$0x18800] =	vst v63  }
0xae: {  	_ = 	snop  }
0xaf: {  	[hbm4b:s12+s2] =	stream.linear.scatter [tilespmem:s2], [sflag:$0x2], $0x18800, $0x38;
	[tilespmem:$0x18800] =	vst v63  }
0xb0: {  	_ =	swait.ge [sflag:s3], $0x18800  }
0xb1: {  	[sflag:s3] =	ssyncset.done $0x0  }
0xb2: {  	[sflag:s3] =	ssyncadd.s32 $0xFFFE7800  }
0xb3: {  	_ =	swait.ge [sflag:s3], $0x18800  }
0xb4: {  	[sflag:s3] =	ssyncset.done $0x0  }
0xb5: {  	[sflag:s3] =	ssyncadd.s32 $0xFFFE7800  }
0xb6: {  	_ =	swait.ge [sflag:s3], $0x18800  }
0xb7: {  	[sflag:s3] =	ssyncset.done $0x0  }
0xb8: {  	[sflag:s3] =	ssyncadd.s32 $0xFFFE7800  }
0xb9: {  	_ =	swait.ge [sflag:s3], $0x18800  }
0xba: {  	[sflag:s3] =	ssyncset.done $0x0  }
0xbb: {  	[sflag:s3] =	ssyncadd.s32 $0xFFFE7800  }
0xbc: {  	_ =	swait.ge [sflag:s3], $0x18800  }
0xbd: {  	[sflag:s3] =	ssyncset.done $0x0  }
0xbe: {  	[sflag:s3] =	ssyncadd.s32 $0xFFFE7800  }
0xbf: {  	_ =	swait.ge [sflag:s3], $0x18800  }
0xc0: {  	[sflag:s3] =	ssyncset.done $0x0  }
0xc1: {  	[sflag:s3] =	ssyncadd.s32 $0xFFFE7800  }
0xc2: {  	_ =	swait.ge [sflag:s3], $0x18800  }
0xc3: {  	s1 =	rddreg [dreg:$0xd]  }
0xc4: {  	p1 =	sne.s32 s1, $0x1  }
.Ltmp1:
0xc5: {  	_ = 	snop;
	(pc) =	sbr.rel @!p1 .LBB2_3-.Ltmp1, $4  }
0xc6: {  	[sflag:s3] =	ssyncset.done $0x0  }
0xc7: {  	[sflag:s3] =	ssyncadd.s32 $0xFFFE7800  }
0xc8: {  	p0 =	por $0x1, $0x1;
	_ =	swait.ge [sflag:s3], $0x18800  }
0xc9: {  	s1 =	sadd.s32 $0xFFFFFFFF, s1;
	s0 =	rddreg [dreg:$0x3];
	[sflag:s3] =	ssyncset.done $0x0  }
.LBB2_2:
0xca: {  	[sflag:s3] =	ssyncadd.s32 $0xFFFE7800  }
0xcb: {  	[tilespmem:s2], [sflag:$0x1] =	stream.linear.gather [hbm4b:s0+s2], $0x18800, $0x38;
	[tilespmem:$0x18800] =	vst v63  }
0xcc: {  	_ =	swait.ge [sflag:s13], $0x18800  }
0xcd: {  	[sflag:s13] =	ssyncset.done $0x0  }
0xce: {  	s0 =	rddreg [dreg:$0x4];
	[sflag:s13] =	ssyncadd.s32 $0xFFFE7800  }
0xcf: {  	s13 =	smov.u32 s31;
	s31 =	smov.u32 s30;
	s30 =	smov.u32 s23  }
0xd0: {  	s23 =	smov.u32 s29;
	s29 =	smov.u32 s28;
	s28 =	smov.u32 s26  }
0xd1: {  	s26 =	smov.u32 s25;
	s25 =	smov.u32 s24;
	s24 =	smov.u32 s22  }
0xd2: {  	s22 =	smov.u32 s21;
	s21 =	smov.u32 s20;
	s20 =	smov.u32 s19  }
0xd3: {  	s19 =	smov.u32 s14;
	s14 =	smov.u32 s18;
	s18 =	smov.u32 s17  }
0xd4: {  	s17 =	smov.u32 s16;
	s16 =	smov.u32 s15;
	s15 =	smov.u32 s12  }
0xd5: {  	s12 =	smov.u32 s11;
	s11 =	smov.u32 s4;
	s4 =	smov.u32 s10  }
0xd6: {  	s10 =	smov.u32 s9;
	s9 =	smov.u32 s8;
	s8 =	smov.u32 s7  }
0xd7: {  	[hbm4b:s0+s2] =	stream.linear.scatter [tilespmem:s2], [sflag:$0x2], $0x18800, $0x38;
	[tilespmem:$0x18800] =	vst v63  }
0xd8: {  	s7 =	smov.u32 s6;
	s6 =	smov.u32 s5;
	s5 =	rddreg [dreg:$0x5]  }
0xd9: {  	[hbm4b:s5+s2] =	stream.linear.scatter [tilespmem:s2], [sflag:$0x2], $0x18800, $0x38;
	[tilespmem:$0x18800] =	vst v63  }
0xda: {  	s0 =	rddreg [dreg:$0x6]  }
0xdb: {  	[hbm4b:s0+s2] =	stream.linear.scatter [tilespmem:s2], [sflag:$0x2], $0x18800, $0x38;
	[tilespmem:$0x18800] =	vst v63  }
0xdc: {  	s5 =	rddreg [dreg:$0x7]  }
0xdd: {  	[hbm4b:s5+s2] =	stream.linear.scatter [tilespmem:s2], [sflag:$0x2], $0x18800, $0x38;
	[tilespmem:$0x18800] =	vst v63  }
0xde: {  	s0 =	rddreg [dreg:$0x8]  }
0xdf: {  	[hbm4b:s0+s2] =	stream.linear.scatter [tilespmem:s2], [sflag:$0x2], $0x18800, $0x38;
	[tilespmem:$0x18800] =	vst v63  }
0xe0: {  	s5 =	rddreg [dreg:$0x9]  }
0xe1: {  	[hbm4b:s5+s2] =	stream.linear.scatter [tilespmem:s2], [sflag:$0x2], $0x18800, $0x38;
	[tilespmem:$0x18800] =	vst v63  }
0xe2: {  	s0 =	rddreg [dreg:$0xa]  }
0xe3: {  	[hbm4b:s0+s2] =	stream.linear.scatter [tilespmem:s2], [sflag:$0x2], $0x18800, $0x38;
	[tilespmem:$0x18800] =	vst v63  }
0xe4: {  	s5 =	rddreg [dreg:$0xb]  }
0xe5: {  	[hbm4b:s5+s2] =	stream.linear.scatter [tilespmem:s2], [sflag:$0x2], $0x18800, $0x38;
	[tilespmem:$0x18800] =	vst v63  }
0xe6: {  	_ =	swait.ge [sflag:s3], $0x18800  }
0xe7: {  	[sflag:s3] =	ssyncset.done $0x0  }
0xe8: {  	[sflag:s3] =	ssyncadd.s32 $0xFFFE7800  }
0xe9: {  	_ =	swait.ge [sflag:s3], $0x18800  }
0xea: {  	[sflag:s3] =	ssyncset.done $0x0  }
0xeb: {  	[sflag:s3] =	ssyncadd.s32 $0xFFFE7800  }
0xec: {  	_ =	swait.ge [sflag:s3], $0x18800  }
0xed: {  	[sflag:s3] =	ssyncset.done $0x0  }
0xee: {  	[sflag:s3] =	ssyncadd.s32 $0xFFFE7800  }
0xef: {  	_ =	swait.ge [sflag:s3], $0x18800  }
0xf0: {  	s5 =	smov.u32 s6;
	s6 =	smov.u32 s7;
	[sflag:s3] =	ssyncset.done $0x0  }
0xf1: {  	s7 =	smov.u32 s8;
	s8 =	smov.u32 s9;
	[sflag:s3] =	ssyncadd.s32 $0xFFFE7800  }
0xf2: {  	s9 =	smov.u32 s10;
	s10 =	smov.u32 s4;
	_ =	swait.ge [sflag:s3], $0x18800  }
0xf3: {  	s4 =	smov.u32 s11;
	s11 =	smov.u32 s12;
	[sflag:s3] =	ssyncset.done $0x0  }
0xf4: {  	s12 =	smov.u32 s15;
	s15 =	smov.u32 s16;
	[sflag:s3] =	ssyncadd.s32 $0xFFFE7800  }
0xf5: {  	s16 =	smov.u32 s17;
	s17 =	smov.u32 s18;
	_ =	swait.ge [sflag:s3], $0x18800  }
0xf6: {  	s18 =	smov.u32 s14;
	s14 =	smov.u32 s19;
	[sflag:s3] =	ssyncset.done $0x0  }
0xf7: {  	s19 =	smov.u32 s20;
	s20 =	smov.u32 s21;
	[sflag:s3] =	ssyncadd.s32 $0xFFFE7800  }
0xf8: {  	s21 =	smov.u32 s22;
	s22 =	smov.u32 s24;
	_ =	swait.ge [sflag:s3], $0x18800  }
0xf9: {  	s24 =	smov.u32 s25;
	s25 =	smov.u32 s26;
	[sflag:s3] =	ssyncset.done $0x0  }
0xfa: {  	s26 =	smov.u32 s28;
	s28 =	smov.u32 s29;
	[sflag:s3] =	ssyncadd.s32 $0xFFFE7800  }
0xfb: {  	s29 =	smov.u32 s23;
	s23 =	smov.u32 s30;
	_ =	swait.ge [sflag:s3], $0x18800  }
0xfc: {  	s30 =	smov.u32 s31;
	s31 =	smov.u32 s13;
	[sflag:s3] =	ssyncset.done $0x0  }
0xfd: {  	s13 =	simm.s32 $0x1;
	s0 =	rddreg [dreg:$0xc];
	[sflag:s3] =	ssyncadd.s32 $0xFFFE7800  }
0xfe: {  	[tilespmem:s2], [sflag:$0x1] =	stream.linear.gather [hbm4b:s0+s2], $0x18800, $0x38;
	[tilespmem:$0x18800] =	vst v63  }
0xff: {  	_ =	swait.ge [sflag:s13], $0x18800  }
0x100: {  	[sflag:s13] =	ssyncset.done $0x0  }
0x101: {  	[sflag:s13] =	ssyncadd.s32 $0xFFFE7800  }
0x102: {  	[hbm4b:s23+s2] =	stream.linear.scatter [tilespmem:s2], [sflag:$0x2], $0x18800, $0x38;
	[tilespmem:$0x18800] =	vst v63  }
0x103: {  	_ = 	snop  }
0x104: {  	[hbm4b:s30+s2] =	stream.linear.scatter [tilespmem:s2], [sflag:$0x2], $0x18800, $0x38;
	[tilespmem:$0x18800] =	vst v63  }
0x105: {  	_ = 	snop  }
0x106: {  	[hbm4b:s31+s2] =	stream.linear.scatter [tilespmem:s2], [sflag:$0x2], $0x18800, $0x38;
	[tilespmem:$0x18800] =	vst v63  }
0x107: {  	_ = 	snop  }
0x108: {  	[hbm4b:s24+s2] =	stream.linear.scatter [tilespmem:s2], [sflag:$0x2], $0x18800, $0x38;
	[tilespmem:$0x18800] =	vst v63  }
0x109: {  	_ = 	snop  }
0x10a: {  	[hbm4b:s25+s2] =	stream.linear.scatter [tilespmem:s2], [sflag:$0x2], $0x18800, $0x38;
	[tilespmem:$0x18800] =	vst v63  }
0x10b: {  	_ = 	snop  }
0x10c: {  	[hbm4b:s26+s2] =	stream.linear.scatter [tilespmem:s2], [sflag:$0x2], $0x18800, $0x38;
	[tilespmem:$0x18800] =	vst v63  }
0x10d: {  	_ = 	snop  }
0x10e: {  	[hbm4b:s28+s2] =	stream.linear.scatter [tilespmem:s2], [sflag:$0x2], $0x18800, $0x38;
	[tilespmem:$0x18800] =	vst v63  }
0x10f: {  	_ = 	snop  }
0x110: {  	[hbm4b:s29+s2] =	stream.linear.scatter [tilespmem:s2], [sflag:$0x2], $0x18800, $0x38;
	[tilespmem:$0x18800] =	vst v63  }
0x111: {  	_ =	swait.ge [sflag:s3], $0x18800  }
0x112: {  	[sflag:s3] =	ssyncset.done $0x0  }
0x113: {  	[sflag:s3] =	ssyncadd.s32 $0xFFFE7800  }
0x114: {  	_ =	swait.ge [sflag:s3], $0x18800  }
0x115: {  	[sflag:s3] =	ssyncset.done $0x0  }
0x116: {  	[sflag:s3] =	ssyncadd.s32 $0xFFFE7800  }
0x117: {  	_ =	swait.ge [sflag:s3], $0x18800  }
0x118: {  	[sflag:s3] =	ssyncset.done $0x0  }
0x119: {  	[sflag:s3] =	ssyncadd.s32 $0xFFFE7800  }
0x11a: {  	_ =	swait.ge [sflag:s3], $0x18800  }
0x11b: {  	[sflag:s3] =	ssyncset.done $0x0  }
0x11c: {  	[sflag:s3] =	ssyncadd.s32 $0xFFFE7800  }
0x11d: {  	_ =	swait.ge [sflag:s3], $0x18800  }
0x11e: {  	[sflag:s3] =	ssyncset.done $0x0  }
0x11f: {  	[sflag:s3] =	ssyncadd.s32 $0xFFFE7800  }
0x120: {  	_ =	swait.ge [sflag:s3], $0x18800  }
0x121: {  	[sflag:s3] =	ssyncset.done $0x0  }
0x122: {  	[sflag:s3] =	ssyncadd.s32 $0xFFFE7800  }
0x123: {  	_ =	swait.ge [sflag:s3], $0x18800  }
0x124: {  	[sflag:s3] =	ssyncset.done $0x0  }
0x125: {  	[sflag:s3] =	ssyncadd.s32 $0xFFFE7800  }
0x126: {  	_ =	swait.ge [sflag:s3], $0x18800  }
0x127: {  	[sflag:s3] =	ssyncset.done $0x0  }
0x128: {  	[sflag:s3] =	ssyncadd.s32 $0xFFFE7800  }
0x129: {  	[tilespmem:s2], [sflag:$0x1] =	stream.linear.gather [hbm4b:s21+s2], $0x18800, $0x38;
	[tilespmem:$0x18800] =	vst v63  }
0x12a: {  	_ =	swait.ge [sflag:s13], $0x18800  }
0x12b: {  	[sflag:s13] =	ssyncset.done $0x0  }
0x12c: {  	[sflag:s13] =	ssyncadd.s32 $0xFFFE7800  }
0x12d: {  	[hbm4b:s14+s2] =	stream.linear.scatter [tilespmem:s2], [sflag:$0x2], $0x18800, $0x38;
	[tilespmem:$0x18800] =	vst v63  }
0x12e: {  	_ = 	snop  }
0x12f: {  	[hbm4b:s15+s2] =	stream.linear.scatter [tilespmem:s2], [sflag:$0x2], $0x18800, $0x38;
	[tilespmem:$0x18800] =	vst v63  }
0x130: {  	_ = 	snop  }
0x131: {  	[hbm4b:s16+s2] =	stream.linear.scatter [tilespmem:s2], [sflag:$0x2], $0x18800, $0x38;
	[tilespmem:$0x18800] =	vst v63  }
0x132: {  	_ = 	snop  }
0x133: {  	[hbm4b:s17+s2] =	stream.linear.scatter [tilespmem:s2], [sflag:$0x2], $0x18800, $0x38;
	[tilespmem:$0x18800] =	vst v63  }
0x134: {  	_ = 	snop  }
0x135: {  	[hbm4b:s18+s2] =	stream.linear.scatter [tilespmem:s2], [sflag:$0x2], $0x18800, $0x38;
	[tilespmem:$0x18800] =	vst v63  }
0x136: {  	_ = 	snop  }
0x137: {  	[hbm4b:s19+s2] =	stream.linear.scatter [tilespmem:s2], [sflag:$0x2], $0x18800, $0x38;
	[tilespmem:$0x18800] =	vst v63  }
0x138: {  	_ = 	snop  }
0x139: {  	[hbm4b:s20+s2] =	stream.linear.scatter [tilespmem:s2], [sflag:$0x2], $0x18800, $0x38;
	[tilespmem:$0x18800] =	vst v63  }
0x13a: {  	_ = 	snop  }
0x13b: {  	[hbm4b:s22+s2] =	stream.linear.scatter [tilespmem:s2], [sflag:$0x2], $0x18800, $0x38;
	[tilespmem:$0x18800] =	vst v63  }
0x13c: {  	_ =	swait.ge [sflag:s3], $0x18800  }
0x13d: {  	[sflag:s3] =	ssyncset.done $0x0  }
0x13e: {  	[sflag:s3] =	ssyncadd.s32 $0xFFFE7800  }
0x13f: {  	_ =	swait.ge [sflag:s3], $0x18800  }
0x140: {  	[sflag:s3] =	ssyncset.done $0x0  }
0x141: {  	[sflag:s3] =	ssyncadd.s32 $0xFFFE7800  }
0x142: {  	_ =	swait.ge [sflag:s3], $0x18800  }
0x143: {  	[sflag:s3] =	ssyncset.done $0x0  }
0x144: {  	[sflag:s3] =	ssyncadd.s32 $0xFFFE7800  }
0x145: {  	_ =	swait.ge [sflag:s3], $0x18800  }
0x146: {  	[sflag:s3] =	ssyncset.done $0x0  }
0x147: {  	[sflag:s3] =	ssyncadd.s32 $0xFFFE7800  }
0x148: {  	_ =	swait.ge [sflag:s3], $0x18800  }
0x149: {  	[sflag:s3] =	ssyncset.done $0x0  }
0x14a: {  	[sflag:s3] =	ssyncadd.s32 $0xFFFE7800  }
0x14b: {  	_ =	swait.ge [sflag:s3], $0x18800  }
0x14c: {  	[sflag:s3] =	ssyncset.done $0x0  }
0x14d: {  	[sflag:s3] =	ssyncadd.s32 $0xFFFE7800  }
0x14e: {  	_ =	swait.ge [sflag:s3], $0x18800  }
0x14f: {  	[sflag:s3] =	ssyncset.done $0x0  }
0x150: {  	[sflag:s3] =	ssyncadd.s32 $0xFFFE7800  }
0x151: {  	_ =	swait.ge [sflag:s3], $0x18800  }
0x152: {  	[sflag:s3] =	ssyncset.done $0x0  }
0x153: {  	[sflag:s3] =	ssyncadd.s32 $0xFFFE7800  }
0x154: {  	[tilespmem:s2], [sflag:$0x1] =	stream.linear.gather [hbm4b:s9+s2], $0x18800, $0x38;
	[tilespmem:$0x18800] =	vst v63  }
0x155: {  	_ =	swait.ge [sflag:s13], $0x18800  }
0x156: {  	[sflag:s13] =	ssyncset.done $0x0  }
0x157: {  	[sflag:s13] =	ssyncadd.s32 $0xFFFE7800  }
0x158: {  	[hbm4b:s4+s2] =	stream.linear.scatter [tilespmem:s2], [sflag:$0x2], $0x18800, $0x38;
	[tilespmem:$0x18800] =	vst v63  }
0x159: {  	_ = 	snop  }
0x15a: {  	[hbm4b:s5+s2] =	stream.linear.scatter [tilespmem:s2], [sflag:$0x2], $0x18800, $0x38;
	[tilespmem:$0x18800] =	vst v63  }
0x15b: {  	_ = 	snop  }
0x15c: {  	[hbm4b:s6+s2] =	stream.linear.scatter [tilespmem:s2], [sflag:$0x2], $0x18800, $0x38;
	[tilespmem:$0x18800] =	vst v63  }
0x15d: {  	_ = 	snop  }
0x15e: {  	[hbm4b:s7+s2] =	stream.linear.scatter [tilespmem:s2], [sflag:$0x2], $0x18800, $0x38;
	[tilespmem:$0x18800] =	vst v63  }
0x15f: {  	_ = 	snop  }
0x160: {  	[hbm4b:s8+s2] =	stream.linear.scatter [tilespmem:s2], [sflag:$0x2], $0x18800, $0x38;
	[tilespmem:$0x18800] =	vst v63  }
0x161: {  	_ = 	snop  }
0x162: {  	[hbm4b:s10+s2] =	stream.linear.scatter [tilespmem:s2], [sflag:$0x2], $0x18800, $0x38;
	[tilespmem:$0x18800] =	vst v63  }
0x163: {  	_ = 	snop  }
0x164: {  	[hbm4b:s11+s2] =	stream.linear.scatter [tilespmem:s2], [sflag:$0x2], $0x18800, $0x38;
	[tilespmem:$0x18800] =	vst v63  }
0x165: {  	_ = 	snop  }
0x166: {  	[hbm4b:s12+s2] =	stream.linear.scatter [tilespmem:s2], [sflag:$0x2], $0x18800, $0x38;
	[tilespmem:$0x18800] =	vst v63  }
0x167: {  	_ =	swait.ge [sflag:s3], $0x18800  }
0x168: {  	[sflag:s3] =	ssyncset.done $0x0  }
0x169: {  	[sflag:s3] =	ssyncadd.s32 $0xFFFE7800  }
0x16a: {  	_ =	swait.ge [sflag:s3], $0x18800  }
0x16b: {  	[sflag:s3] =	ssyncset.done $0x0  }
0x16c: {  	[sflag:s3] =	ssyncadd.s32 $0xFFFE7800  }
0x16d: {  	_ =	swait.ge [sflag:s3], $0x18800  }
0x16e: {  	[sflag:s3] =	ssyncset.done $0x0  }
0x16f: {  	[sflag:s3] =	ssyncadd.s32 $0xFFFE7800  }
0x170: {  	_ =	swait.ge [sflag:s3], $0x18800  }
0x171: {  	[sflag:s3] =	ssyncset.done $0x0  }
0x172: {  	[sflag:s3] =	ssyncadd.s32 $0xFFFE7800  }
0x173: {  	_ =	swait.ge [sflag:s3], $0x18800  }
0x174: {  	[sflag:s3] =	ssyncset.done $0x0  }
0x175: {  	[sflag:s3] =	ssyncadd.s32 $0xFFFE7800  }
0x176: {  	_ =	swait.ge [sflag:s3], $0x18800  }
0x177: {  	[sflag:s3] =	ssyncset.done $0x0  }
0x178: {  	p1 =	sne.s32 s1, $0x1;
	[sflag:s3] =	ssyncadd.s32 $0xFFFE7800  }
.Ltmp2:
0x179: {  	_ =	swait.ge [sflag:s3], $0x18800;
	(pc) =	sbr.rel @p1 .LBB2_2-.Ltmp2, $4  }
0x17a: {  	[sflag:s3] =	ssyncset.done $0x0  }
0x17b: {  	[sflag:s3] =	ssyncadd.s32 $0xFFFE7800  }
0x17c: {  	_ =	swait.ge [sflag:s3], $0x18800  }
0x17d: {  	s1 =	sadd.s32 $0xFFFFFFFF, s1;
	s0 =	rddreg [dreg:$0x3];
	[sflag:s3] =	ssyncset.done $0x0  }
.LBB2_3:
0x17e: {  	[sflag:s3] =	ssyncadd.s32 @p0 $0xFFFE7800  }
0x17f: {  	[tilespmem:s2], [sflag:$0x1] =	stream.linear.gather [hbm4b:s0+s2], $0x18800, $0x38;
	[tilespmem:$0x18800] =	vst v63  }
0x180: {  	_ =	swait.ge [sflag:s13], $0x18800  }
0x181: {  	[sflag:s13] =	ssyncset.done $0x0  }
0x182: {  	s0 =	rddreg [dreg:$0x4];
	[sflag:s13] =	ssyncadd.s32 $0xFFFE7800  }
0x183: {  	[hbm4b:s0+s2] =	stream.linear.scatter [tilespmem:s2], [sflag:$0x2], $0x18800, $0x38;
	[tilespmem:$0x18800] =	vst v63  }
0x184: {  	s1 =	rddreg [dreg:$0x5]  }
0x185: {  	[hbm4b:s1+s2] =	stream.linear.scatter [tilespmem:s2], [sflag:$0x2], $0x18800, $0x38;
	[tilespmem:$0x18800] =	vst v63  }
0x186: {  	s0 =	rddreg [dreg:$0x6]  }
0x187: {  	[hbm4b:s0+s2] =	stream.linear.scatter [tilespmem:s2], [sflag:$0x2], $0x18800, $0x38;
	[tilespmem:$0x18800] =	vst v63  }
0x188: {  	s1 =	rddreg [dreg:$0x7]  }
0x189: {  	[hbm4b:s1+s2] =	stream.linear.scatter [tilespmem:s2], [sflag:$0x2], $0x18800, $0x38;
	[tilespmem:$0x18800] =	vst v63  }
0x18a: {  	s0 =	rddreg [dreg:$0x8]  }
0x18b: {  	[hbm4b:s0+s2] =	stream.linear.scatter [tilespmem:s2], [sflag:$0x2], $0x18800, $0x38;
	[tilespmem:$0x18800] =	vst v63  }
0x18c: {  	s1 =	rddreg [dreg:$0x9]  }
0x18d: {  	[hbm4b:s1+s2] =	stream.linear.scatter [tilespmem:s2], [sflag:$0x2], $0x18800, $0x38;
	[tilespmem:$0x18800] =	vst v63  }
0x18e: {  	s0 =	rddreg [dreg:$0xa]  }
0x18f: {  	[hbm4b:s0+s2] =	stream.linear.scatter [tilespmem:s2], [sflag:$0x2], $0x18800, $0x38;
	[tilespmem:$0x18800] =	vst v63  }
0x190: {  	s1 =	rddreg [dreg:$0xb]  }
0x191: {  	[hbm4b:s1+s2] =	stream.linear.scatter [tilespmem:s2], [sflag:$0x2], $0x18800, $0x38;
	[tilespmem:$0x18800] =	vst v63  }
0x192: {  	_ =	swait.ge [sflag:s3], $0x18800  }
0x193: {  	[sflag:s3] =	ssyncset.done $0x0  }
0x194: {  	[sflag:s3] =	ssyncadd.s32 $0xFFFE7800  }
0x195: {  	_ =	swait.ge [sflag:s3], $0x18800  }
0x196: {  	[sflag:s3] =	ssyncset.done $0x0  }
0x197: {  	[sflag:s3] =	ssyncadd.s32 $0xFFFE7800  }
0x198: {  	_ =	swait.ge [sflag:s3], $0x18800  }
0x199: {  	[sflag:s3] =	ssyncset.done $0x0  }
0x19a: {  	[sflag:s3] =	ssyncadd.s32 $0xFFFE7800  }
0x19b: {  	_ =	swait.ge [sflag:s3], $0x18800  }
0x19c: {  	[sflag:s3] =	ssyncset.done $0x0  }
0x19d: {  	[sflag:s3] =	ssyncadd.s32 $0xFFFE7800  }
0x19e: {  	_ =	swait.ge [sflag:s3], $0x18800  }
0x19f: {  	[sflag:s3] =	ssyncset.done $0x0  }
0x1a0: {  	[sflag:s3] =	ssyncadd.s32 $0xFFFE7800  }
0x1a1: {  	_ =	swait.ge [sflag:s3], $0x18800  }
0x1a2: {  	[sflag:s3] =	ssyncset.done $0x0  }
0x1a3: {  	[sflag:s3] =	ssyncadd.s32 $0xFFFE7800  }
0x1a4: {  	_ =	swait.ge [sflag:s3], $0x18800  }
0x1a5: {  	[sflag:s3] =	ssyncset.done $0x0  }
0x1a6: {  	[sflag:s3] =	ssyncadd.s32 $0xFFFE7800  }
0x1a7: {  	_ =	swait.ge [sflag:s3], $0x18800  }
0x1a8: {  	[sflag:s3] =	ssyncset.done $0x0  }
0x1a9: {  	s1 =	rddreg [dreg:$0xc];
	[sflag:s3] =	ssyncadd.s32 $0xFFFE7800  }
0x1aa: {  	[tilespmem:s2], [sflag:$0x1] =	stream.linear.gather [hbm4b:s1+s2], $0x18800, $0x38;
	[tilespmem:$0x18800] =	vst v63  }
0x1ab: {  	_ =	swait.ge [sflag:s13], $0x18800  }
0x1ac: {  	[sflag:s13] =	ssyncset.done $0x0  }
0x1ad: {  	[sflag:s13] =	ssyncadd.s32 $0xFFFE7800  }
0x1ae: {  	[hbm4b:s23+s2] =	stream.linear.scatter [tilespmem:s2], [sflag:$0x2], $0x18800, $0x38;
	[tilespmem:$0x18800] =	vst v63  }
0x1af: {  	_ = 	snop  }
0x1b0: {  	[hbm4b:s30+s2] =	stream.linear.scatter [tilespmem:s2], [sflag:$0x2], $0x18800, $0x38;
	[tilespmem:$0x18800] =	vst v63  }
0x1b1: {  	_ = 	snop  }
0x1b2: {  	[hbm4b:s31+s2] =	stream.linear.scatter [tilespmem:s2], [sflag:$0x2], $0x18800, $0x38;
	[tilespmem:$0x18800] =	vst v63  }
0x1b3: {  	_ = 	snop  }
0x1b4: {  	[hbm4b:s24+s2] =	stream.linear.scatter [tilespmem:s2], [sflag:$0x2], $0x18800, $0x38;
	[tilespmem:$0x18800] =	vst v63  }
0x1b5: {  	_ = 	snop  }
0x1b6: {  	[hbm4b:s25+s2] =	stream.linear.scatter [tilespmem:s2], [sflag:$0x2], $0x18800, $0x38;
	[tilespmem:$0x18800] =	vst v63  }
0x1b7: {  	_ = 	snop  }
0x1b8: {  	[hbm4b:s26+s2] =	stream.linear.scatter [tilespmem:s2], [sflag:$0x2], $0x18800, $0x38;
	[tilespmem:$0x18800] =	vst v63  }
0x1b9: {  	_ = 	snop  }
0x1ba: {  	[hbm4b:s28+s2] =	stream.linear.scatter [tilespmem:s2], [sflag:$0x2], $0x18800, $0x38;
	[tilespmem:$0x18800] =	vst v63  }
0x1bb: {  	_ = 	snop  }
0x1bc: {  	[hbm4b:s29+s2] =	stream.linear.scatter [tilespmem:s2], [sflag:$0x2], $0x18800, $0x38;
	[tilespmem:$0x18800] =	vst v63  }
0x1bd: {  	_ =	swait.ge [sflag:s3], $0x18800  }
0x1be: {  	[sflag:s3] =	ssyncset.done $0x0  }
0x1bf: {  	[sflag:s3] =	ssyncadd.s32 $0xFFFE7800  }
0x1c0: {  	_ =	swait.ge [sflag:s3], $0x18800  }
0x1c1: {  	[sflag:s3] =	ssyncset.done $0x0  }
0x1c2: {  	[sflag:s3] =	ssyncadd.s32 $0xFFFE7800  }
0x1c3: {  	_ =	swait.ge [sflag:s3], $0x18800  }
0x1c4: {  	[sflag:s3] =	ssyncset.done $0x0  }
0x1c5: {  	[sflag:s3] =	ssyncadd.s32 $0xFFFE7800  }
0x1c6: {  	_ =	swait.ge [sflag:s3], $0x18800  }
0x1c7: {  	[sflag:s3] =	ssyncset.done $0x0  }
0x1c8: {  	[sflag:s3] =	ssyncadd.s32 $0xFFFE7800  }
0x1c9: {  	_ =	swait.ge [sflag:s3], $0x18800  }
0x1ca: {  	[sflag:s3] =	ssyncset.done $0x0  }
0x1cb: {  	[sflag:s3] =	ssyncadd.s32 $0xFFFE7800  }
0x1cc: {  	_ =	swait.ge [sflag:s3], $0x18800  }
0x1cd: {  	[sflag:s3] =	ssyncset.done $0x0  }
0x1ce: {  	[sflag:s3] =	ssyncadd.s32 $0xFFFE7800  }
0x1cf: {  	_ =	swait.ge [sflag:s3], $0x18800  }
0x1d0: {  	[sflag:s3] =	ssyncset.done $0x0  }
0x1d1: {  	[sflag:s3] =	ssyncadd.s32 $0xFFFE7800  }
0x1d2: {  	_ =	swait.ge [sflag:s3], $0x18800  }
0x1d3: {  	[sflag:s3] =	ssyncset.done $0x0  }
0x1d4: {  	[sflag:s3] =	ssyncadd.s32 $0xFFFE7800  }
0x1d5: {  	[tilespmem:s2], [sflag:$0x1] =	stream.linear.gather [hbm4b:s21+s2], $0x18800, $0x38;
	[tilespmem:$0x18800] =	vst v63  }
0x1d6: {  	_ =	swait.ge [sflag:s13], $0x18800  }
0x1d7: {  	[sflag:s13] =	ssyncset.done $0x0  }
0x1d8: {  	[sflag:s13] =	ssyncadd.s32 $0xFFFE7800  }
0x1d9: {  	[hbm4b:s14+s2] =	stream.linear.scatter [tilespmem:s2], [sflag:$0x2], $0x18800, $0x38;
	[tilespmem:$0x18800] =	vst v63  }
0x1da: {  	_ = 	snop  }
0x1db: {  	[hbm4b:s15+s2] =	stream.linear.scatter [tilespmem:s2], [sflag:$0x2], $0x18800, $0x38;
	[tilespmem:$0x18800] =	vst v63  }
0x1dc: {  	_ = 	snop  }
0x1dd: {  	[hbm4b:s16+s2] =	stream.linear.scatter [tilespmem:s2], [sflag:$0x2], $0x18800, $0x38;
	[tilespmem:$0x18800] =	vst v63  }
0x1de: {  	_ = 	snop  }
0x1df: {  	[hbm4b:s17+s2] =	stream.linear.scatter [tilespmem:s2], [sflag:$0x2], $0x18800, $0x38;
	[tilespmem:$0x18800] =	vst v63  }
0x1e0: {  	_ = 	snop  }
0x1e1: {  	[hbm4b:s18+s2] =	stream.linear.scatter [tilespmem:s2], [sflag:$0x2], $0x18800, $0x38;
	[tilespmem:$0x18800] =	vst v63  }
0x1e2: {  	_ = 	snop  }
0x1e3: {  	[hbm4b:s19+s2] =	stream.linear.scatter [tilespmem:s2], [sflag:$0x2], $0x18800, $0x38;
	[tilespmem:$0x18800] =	vst v63  }
0x1e4: {  	_ = 	snop  }
0x1e5: {  	[hbm4b:s20+s2] =	stream.linear.scatter [tilespmem:s2], [sflag:$0x2], $0x18800, $0x38;
	[tilespmem:$0x18800] =	vst v63  }
0x1e6: {  	_ = 	snop  }
0x1e7: {  	[hbm4b:s22+s2] =	stream.linear.scatter [tilespmem:s2], [sflag:$0x2], $0x18800, $0x38;
	[tilespmem:$0x18800] =	vst v63  }
0x1e8: {  	_ =	swait.ge [sflag:s3], $0x18800  }
0x1e9: {  	[sflag:s3] =	ssyncset.done $0x0  }
0x1ea: {  	[sflag:s3] =	ssyncadd.s32 $0xFFFE7800  }
0x1eb: {  	_ =	swait.ge [sflag:s3], $0x18800  }
0x1ec: {  	[sflag:s3] =	ssyncset.done $0x0  }
0x1ed: {  	[sflag:s3] =	ssyncadd.s32 $0xFFFE7800  }
0x1ee: {  	_ =	swait.ge [sflag:s3], $0x18800  }
0x1ef: {  	[sflag:s3] =	ssyncset.done $0x0  }
0x1f0: {  	[sflag:s3] =	ssyncadd.s32 $0xFFFE7800  }
0x1f1: {  	_ =	swait.ge [sflag:s3], $0x18800  }
0x1f2: {  	[sflag:s3] =	ssyncset.done $0x0  }
0x1f3: {  	[sflag:s3] =	ssyncadd.s32 $0xFFFE7800  }
0x1f4: {  	_ =	swait.ge [sflag:s3], $0x18800  }
0x1f5: {  	[sflag:s3] =	ssyncset.done $0x0  }
0x1f6: {  	[sflag:s3] =	ssyncadd.s32 $0xFFFE7800  }
0x1f7: {  	_ =	swait.ge [sflag:s3], $0x18800  }
0x1f8: {  	[sflag:s3] =	ssyncset.done $0x0  }
0x1f9: {  	[sflag:s3] =	ssyncadd.s32 $0xFFFE7800  }
0x1fa: {  	_ =	swait.ge [sflag:s3], $0x18800  }
0x1fb: {  	[sflag:s3] =	ssyncset.done $0x0  }
0x1fc: {  	[sflag:s3] =	ssyncadd.s32 $0xFFFE7800  }
0x1fd: {  	_ =	swait.ge [sflag:s3], $0x18800  }
0x1fe: {  	[sflag:s3] =	ssyncset.done $0x0  }
0x1ff: {  	[sflag:s3] =	ssyncadd.s32 $0xFFFE7800  }
0x200: {  	[tilespmem:s2], [sflag:$0x1] =	stream.linear.gather [hbm4b:s9+s2], $0x18800, $0x38;
	[tilespmem:$0x18800] =	vst v63  }
0x201: {  	_ =	swait.ge [sflag:s13], $0x18800  }
0x202: {  	[sflag:s13] =	ssyncset.done $0x0  }
0x203: {  	[sflag:s13] =	ssyncadd.s32 $0xFFFE7800  }
0x204: {  	[hbm4b:s4+s2] =	stream.linear.scatter [tilespmem:s2], [sflag:$0x2], $0x18800, $0x38;
	[tilespmem:$0x18800] =	vst v63  }
0x205: {  	_ = 	snop  }
0x206: {  	[hbm4b:s5+s2] =	stream.linear.scatter [tilespmem:s2], [sflag:$0x2], $0x18800, $0x38;
	[tilespmem:$0x18800] =	vst v63  }
0x207: {  	_ = 	snop  }
0x208: {  	[hbm4b:s6+s2] =	stream.linear.scatter [tilespmem:s2], [sflag:$0x2], $0x18800, $0x38;
	[tilespmem:$0x18800] =	vst v63  }
0x209: {  	_ = 	snop  }
0x20a: {  	[hbm4b:s7+s2] =	stream.linear.scatter [tilespmem:s2], [sflag:$0x2], $0x18800, $0x38;
	[tilespmem:$0x18800] =	vst v63  }
0x20b: {  	_ = 	snop  }
0x20c: {  	[hbm4b:s8+s2] =	stream.linear.scatter [tilespmem:s2], [sflag:$0x2], $0x18800, $0x38;
	[tilespmem:$0x18800] =	vst v63  }
0x20d: {  	_ = 	snop  }
0x20e: {  	[hbm4b:s10+s2] =	stream.linear.scatter [tilespmem:s2], [sflag:$0x2], $0x18800, $0x38;
	[tilespmem:$0x18800] =	vst v63  }
0x20f: {  	_ = 	snop  }
0x210: {  	[hbm4b:s11+s2] =	stream.linear.scatter [tilespmem:s2], [sflag:$0x2], $0x18800, $0x38;
	[tilespmem:$0x18800] =	vst v63  }
0x211: {  	_ = 	snop  }
0x212: {  	[hbm4b:s12+s2] =	stream.linear.scatter [tilespmem:s2], [sflag:$0x2], $0x18800, $0x38;
	[tilespmem:$0x18800] =	vst v63  }
0x213: {  	_ =	swait.ge [sflag:s3], $0x18800  }
0x214: {  	[sflag:s3] =	ssyncset.done $0x0  }
0x215: {  	[sflag:s3] =	ssyncadd.s32 $0xFFFE7800  }
0x216: {  	_ =	swait.ge [sflag:s3], $0x18800  }
0x217: {  	[sflag:s3] =	ssyncset.done $0x0  }
0x218: {  	[sflag:s3] =	ssyncadd.s32 $0xFFFE7800  }
0x219: {  	_ =	swait.ge [sflag:s3], $0x18800  }
0x21a: {  	[sflag:s3] =	ssyncset.done $0x0  }
0x21b: {  	[sflag:s3] =	ssyncadd.s32 $0xFFFE7800  }
0x21c: {  	_ =	swait.ge [sflag:s3], $0x18800  }
0x21d: {  	[sflag:s3] =	ssyncset.done $0x0  }
0x21e: {  	[sflag:s3] =	ssyncadd.s32 $0xFFFE7800  }
0x21f: {  	_ =	swait.ge [sflag:s3], $0x18800  }
0x220: {  	[sflag:s3] =	ssyncset.done $0x0  }
0x221: {  	[sflag:s3] =	ssyncadd.s32 $0xFFFE7800  }
0x222: {  	_ =	swait.ge [sflag:s3], $0x18800  }
0x223: {  	[sflag:s3] =	ssyncset.done $0x0  }
0x224: {  	[sflag:s3] =	ssyncadd.s32 $0xFFFE7800  }
0x225: {  	_ =	swait.ge [sflag:s3], $0x18800  }
0x226: {  	[sflag:s3] =	ssyncset.done $0x0  }
0x227: {  	[sflag:s3] =	ssyncadd.s32 $0xFFFE7800  }
0x228: {  	_ =	swait.ge [sflag:s3], $0x18800  }
0x229: {  	[sflag:s3] =	ssyncset.done $0x0  }
0x22a: {  	[sflag:s3] =	ssyncadd.s32 $0xFFFE7800  }
0x22b: {  	_ =	sfence.sel $0x180000  }
0x22c: {  	[bflag:$0x0] =	sbarrier.arrive $0xFFFF  }
0x22d: {  	_ =	strace $0x90000047  }
0x22e: {  	s31 =	stileid.u32;
	[bflag:$0x2] =	sbarrier.arrive $0xFFFF  }
0x22f: {  	p0 =	sne.s32 s31, $0x0;
	s0 =	rddreg [dreg:$0x2]  }
0x230: {  	s0 =	sadd.s32 @!p0 $0x100000, s0  }
0x231: {  	[sflag:s0] =	ssyncadd.tile.s32 @!p0 $0x1;
	_ =	shalt  }
.Lfunc_end2:
_tile_overlayer_lowered:
.L_overlay_start_2:
0x232: {  	(tag) =	ssettag $0x2  }
0x233: {  	s0 =	rddreg [dreg:$0x0];
	s2 =	stileid.u32  }
0x234: {  	s1 =	rddreg [dreg:$0x1];
	p0 =	sne.s32 s2, $0x0  }
0x235: {  	s3 =	rddreg [dreg:$0x2];
	[bflag:$0x3] =	sbarrier.arrive $0xFFFF;
	s2 =	simm.s32 @!p0 $0x1C03  }
0x236: {  	[timem:s3], [sflag:s2] =	dma.local @!p0 [hbm:s0], s1  }
0x237: {  	s0 =	simm.s32 @!p0 $0x3  }
0x238: {  	_ =	swait.ge @!p0 [sflag:s0], s1  }
0x239: {  	s1 =	ssub.s32 @!p0 $0x0, s1;
	[sflag:s0] =	ssyncset.done @!p0 $0x0  }
0x23a: {  	[sflag:s0] =	ssyncadd.s32 @!p0 s1  }
0x23b: {  	[bflag:$0x3] =	sbarrier.arrive $0xFFFF  }
0x23c: {  	_ =	shalt  }

</sc_bundles>
